<compile_context>
chip_gen: v7x
topology: tpu7x:2x2x1
jax: 0.10.2.dev20260603
libtpu: 0.0.44.dev20260713+nightly
codegen_flags: <defaults>
</compile_context>

<pallas_src>
import functools

import jax
import jax.numpy as jnp
from jax import lax
from jax.experimental import pallas as pl
from jax.experimental.pallas import tpu as pltpu
from jax.experimental.pallas import tpu_sc as plsc

_B = 4096
_CTX = 20
_D = 16
_V = 100000

_NC = 2
_NS = 16
_NW = _NC * _NS
_BPW = _B // _NW

_BV = 1024


_BH = _B // _NC
_G = 512
_NG = _BH // _G


def _gather_mean_body(
    idx_hbm, tablet_hbm, avgt_hbm, row_v, idx_v, out_v, sem_r, sem0, sem1
):
    d = lax.axis_index("s")
    h = lax.axis_index("c")
    base = h * _BH
    sems = [sem0, sem1]
    row_cp = pltpu.async_copy(tablet_hbm.at[d], row_v, sem_r)

    def idx_start(g):
        return pltpu.async_copy(
            idx_hbm.at[:, pl.ds(base + g * _G, _G)], idx_v.at[g % 2], sems[g % 2]
        )

    cps = {0: idx_start(0)}
    row_cp.wait()
    for g in range(_NG):
        if g + 1 < _NG:
            cps[g + 1] = idx_start(g + 1)
        cps[g].wait()
        buf = g % 2

        def bb_body(bb, carry, _g=g, _buf=buf):
            acc = plsc.load_gather(row_v, [idx_v[_buf, 0, pl.ds(bb * 16, 16)]])
            for c in range(1, _CTX):
                acc = acc + plsc.load_gather(
                    row_v, [idx_v[_buf, c, pl.ds(bb * 16, 16)]]
                )
            out_off = _g * _G + bb * 16
            out_v[pl.ds(out_off, 16)] = acc * (1.0 / _CTX)
            return carry

        lax.fori_loop(0, _G // 16, bb_body, 0)
    pltpu.sync_copy(out_v, avgt_hbm.at[d, pl.ds(base, _BH)])


_gather_mean = functools.partial(
    pl.kernel,
    out_type=jax.ShapeDtypeStruct((_D, _B), jnp.float32),
    mesh=plsc.VectorSubcoreMesh(core_axis_name="c", subcore_axis_name="s"),
    scratch_types=[
        pltpu.VMEM((_V,), jnp.float32),
        pltpu.VMEM((2, _CTX, _G), jnp.int32),
        pltpu.VMEM((_BH,), jnp.float32),
        pltpu.SemaphoreType.DMA,
        pltpu.SemaphoreType.DMA,
        pltpu.SemaphoreType.DMA,
    ],
    compiler_params=pltpu.CompilerParams(
        use_tc_tiling_on_sc=True, needs_layout_passes=False
    ),
)(_gather_mean_body)


def _matmul_body(we_ref, ae_ref, out_ref):
    out_ref[...] = lax.dot_general(
        we_ref[...],
        ae_ref[...],
        (((0,), (0,)), ((), ())),
        preferred_element_type=jnp.float32,
    )


def kernel(context_words, emb_table, W, b):
    idx_t = context_words.astype(jnp.int32).T

    avg_t = _gather_mean(idx_t, emb_table.T)

    w_ext = jnp.concatenate([W.T, b[None, :]], axis=0)
    avg_ext = jnp.concatenate(
        [avg_t, jnp.ones((1, _B), jnp.float32)], axis=0
    )

    out_t = pl.pallas_call(
        _matmul_body,
        grid=(pl.cdiv(_V, _BV),),
        in_specs=[
            pl.BlockSpec((_D + 1, _BV), lambda i: (0, i)),
            pl.BlockSpec((_D + 1, _B), lambda i: (0, 0)),
        ],
        out_specs=pl.BlockSpec((_BV, _B), lambda i: (i, 0)),
        out_shape=jax.ShapeDtypeStruct((_V, _B), jnp.float32),
        compiler_params=pltpu.CompilerParams(
            dimension_semantics=("parallel",),
            vmem_limit_bytes=100 * 1024 * 1024,
        ),
    )(w_ext, avg_ext)
    return out_t.T

# --- scband reference (transcript-rebuilt; emitter-appended) ---
"""Pipeline reference for scband-cbowmodel-58394375356779 (READ-ONLY COPY).

The authoritative reference and input builder live on the scoring server;
editing this copy changes nothing except your own understanding.
"""

import jax, jax.numpy as jnp
import numpy as np

VOCAB = 100000
DIM = 16
BATCH = 4096
CTX = 20

def setup_inputs(seed: int = 0) -> dict:
    key = jax.random.key(seed)
    k1, k2, k3, k4 = jax.random.split(key, 4)
    context_words = jax.random.randint(k1, (BATCH, CTX), 0, VOCAB, dtype=jnp.int64)
    emb_table = jax.random.normal(k2, (VOCAB, DIM), dtype=jnp.float32)
    W = jax.random.normal(k3, (VOCAB, DIM), dtype=jnp.float32) * 0.05
    b = jnp.zeros((VOCAB,), dtype=jnp.float32)
    return {"context_words": context_words, "emb_table": emb_table, "W": W, "b": b}

def reference(context_words, emb_table, W, b):
    # nn.Embedding lookup: gather rows of the table
    embeds = jnp.take(emb_table, context_words, axis=0)  # [B, CTX, DIM]
    # mean over the context dimension
    avg_embeds = jnp.mean(embeds, axis=1)  # [B, DIM]
    # nn.Linear(embedding_dim, vocab_size): y = x @ W^T + b
    out = avg_embeds @ W.T + b  # [B, VOCAB]
    return out

if __name__ == "__main__":
    import jax
    _d = setup_inputs()
    print(jax.jit(kernel)(*tuple(_d.values())))

</pallas_src>

<mosaic_0001>
#map = affine_map<(d0, d1) -> (0, 0)>
module attributes {stable_mosaic.version = 14 : i64} {
  func.func @_gather_mean_body(%arg0: i32, %arg1: i32, %arg2: memref<20x4096xi32, #tpu.memory_space<hbm>>, %arg3: memref<16x100000xf32, #tpu.memory_space<hbm>>, %arg4: memref<16x4096xf32, #tpu.memory_space<hbm>>, %arg5: memref<100000xf32, #tpu.memory_space<vmem>>, %arg6: memref<2x20x512xi32, #tpu.memory_space<vmem>>, %arg7: memref<2048xf32, #tpu.memory_space<vmem>>, %arg8: memref<!tpu.dma_semaphore, #tpu.memory_space<semaphore_mem>>, %arg9: memref<!tpu.dma_semaphore, #tpu.memory_space<semaphore_mem>>, %arg10: memref<!tpu.dma_semaphore, #tpu.memory_space<semaphore_mem>>) attributes {dimension_semantics = [#tpu.dimension_semantics<core_parallel>, #tpu.dimension_semantics<subcore_parallel>], iteration_bounds = array<i64: 2, 16>, scalar_prefetch = 0 : i64, scratch_operands = 6 : i64, tpu.core_type = #tpu.core_type<sc_vector_subcore>, window_params = [{transform_indices = #map}, {transform_indices = #map}, {transform_indices = #map}]} {
    %mul3A = arith.constant 2048 : i32
    %mul3A_0 = arith.muli %arg0, %mul3A : i32
    %dma_start3A = arith.constant 0 : i32
    %dma_start3A_1 = tpu.memref_slice %arg3[%arg1, %dma_start3A] : memref<16x100000xf32, #tpu.memory_space<hbm>> -> memref<1x100000xf32, #tpu.memory_space<hbm>>
    %dma_start3A_2 = tpu.memref_squeeze %dma_start3A_1 : memref<1x100000xf32, #tpu.memory_space<hbm>> -> memref<100000xf32, #tpu.memory_space<hbm>>
    %dma_start3A_3 = arith.constant 0 : i32
    %dma_start3A_4 = tpu.memref_slice %arg3[%arg1, %dma_start3A_3] : memref<16x100000xf32, #tpu.memory_space<hbm>> -> memref<1x100000xf32, #tpu.memory_space<hbm>>
    %dma_start3A_5 = tpu.memref_squeeze %dma_start3A_4 : memref<1x100000xf32, #tpu.memory_space<hbm>> -> memref<100000xf32, #tpu.memory_space<hbm>>
    tpu.enqueue_dma source(%dma_start3A_5 : memref<100000xf32, #tpu.memory_space<hbm>>) target(%arg5 : memref<100000xf32, #tpu.memory_space<vmem>>) target_semaphore(%arg8 : memref<!tpu.dma_semaphore, #tpu.memory_space<semaphore_mem>>)
    %add3A = arith.constant 0 : i32
    %add3A_6 = arith.addi %mul3A_0, %add3A : i32
    %dma_start3A_7 = arith.constant 0 : i32
    %dma_start3A_8 = arith.constant 0 : i32
    %dma_start3A_9 = arith.constant 0 : i32
    %dma_start3A_10 = tpu.memref_slice %arg6[%dma_start3A_7, %dma_start3A_8, %dma_start3A_9] : memref<2x20x512xi32, #tpu.memory_space<vmem>> -> memref<1x20x512xi32, #tpu.memory_space<vmem>>
    %dma_start3A_11 = tpu.memref_squeeze %dma_start3A_10 : memref<1x20x512xi32, #tpu.memory_space<vmem>> -> memref<20x512xi32, #tpu.memory_space<vmem>>
    %dma_start3A_12 = arith.constant 0 : i32
    %dma_start3A_13 = tpu.memref_slice %arg2[%dma_start3A_12, %add3A_6] : memref<20x4096xi32, #tpu.memory_space<hbm>> -> memref<20x512xi32, #tpu.memory_space<hbm>>
    %dma_start3A_14 = arith.constant 0 : i32
    %dma_start3A_15 = arith.constant 0 : i32
    %dma_start3A_16 = tpu.memref_slice %arg6[%dma_start3A_7, %dma_start3A_14, %dma_start3A_15] : memref<2x20x512xi32, #tpu.memory_space<vmem>> -> memref<1x20x512xi32, #tpu.memory_space<vmem>>
    %dma_start3A_17 = tpu.memref_squeeze %dma_start3A_16 : memref<1x20x512xi32, #tpu.memory_space<vmem>> -> memref<20x512xi32, #tpu.memory_space<vmem>>
    %dma_start3A_18 = arith.constant 0 : i32
    %dma_start3A_19 = tpu.memref_slice %arg2[%dma_start3A_18, %add3A_6] : memref<20x4096xi32, #tpu.memory_space<hbm>> -> memref<20x512xi32, #tpu.memory_space<hbm>>
    tpu.enqueue_dma source(%dma_start3A_19 : memref<20x512xi32, #tpu.memory_space<hbm>>) target(%dma_start3A_17 : memref<20x512xi32, #tpu.memory_space<vmem>>) target_semaphore(%arg9 : memref<!tpu.dma_semaphore, #tpu.memory_space<semaphore_mem>>)
    %dma_wait3A = arith.constant 0 : i32
    %dma_wait3A_20 = tpu.memref_slice %arg3[%arg1, %dma_wait3A] : memref<16x100000xf32, #tpu.memory_space<hbm>> -> memref<1x100000xf32, #tpu.memory_space<hbm>>
    %dma_wait3A_21 = tpu.memref_squeeze %dma_wait3A_20 : memref<1x100000xf32, #tpu.memory_space<hbm>> -> memref<100000xf32, #tpu.memory_space<hbm>>
    %dma_wait3A_22 = arith.constant 0 : i32
    %dma_wait3A_23 = tpu.memref_slice %arg3[%arg1, %dma_wait3A_22] : memref<16x100000xf32, #tpu.memory_space<hbm>> -> memref<1x100000xf32, #tpu.memory_space<hbm>>
    %dma_wait3A_24 = tpu.memref_squeeze %dma_wait3A_23 : memref<1x100000xf32, #tpu.memory_space<hbm>> -> memref<100000xf32, #tpu.memory_space<hbm>>
    tpu.wait_dma2 semaphore(%arg8 : memref<!tpu.dma_semaphore, #tpu.memory_space<semaphore_mem>>) src(%dma_wait3A_24 : memref<100000xf32, #tpu.memory_space<hbm>>) dst(%arg5 : memref<100000xf32, #tpu.memory_space<vmem>>)
    %add3A_25 = arith.constant 512 : i32
    %add3A_26 = arith.addi %mul3A_0, %add3A_25 : i32
    %dma_start3A_27 = arith.constant 1 : i32
    %dma_start3A_28 = arith.constant 0 : i32
    %dma_start3A_29 = arith.constant 0 : i32
    %dma_start3A_30 = tpu.memref_slice %arg6[%dma_start3A_27, %dma_start3A_28, %dma_start3A_29] : memref<2x20x512xi32, #tpu.memory_space<vmem>> -> memref<1x20x512xi32, #tpu.memory_space<vmem>>
    %dma_start3A_31 = tpu.memref_squeeze %dma_start3A_30 : memref<1x20x512xi32, #tpu.memory_space<vmem>> -> memref<20x512xi32, #tpu.memory_space<vmem>>
    %dma_start3A_32 = arith.constant 0 : i32
    %dma_start3A_33 = tpu.memref_slice %arg2[%dma_start3A_32, %add3A_26] : memref<20x4096xi32, #tpu.memory_space<hbm>> -> memref<20x512xi32, #tpu.memory_space<hbm>>
    %dma_start3A_34 = arith.constant 0 : i32
    %dma_start3A_35 = arith.constant 0 : i32
    %dma_start3A_36 = tpu.memref_slice %arg6[%dma_start3A_27, %dma_start3A_34, %dma_start3A_35] : memref<2x20x512xi32, #tpu.memory_space<vmem>> -> memref<1x20x512xi32, #tpu.memory_space<vmem>>
    %dma_start3A_37 = tpu.memref_squeeze %dma_start3A_36 : memref<1x20x512xi32, #tpu.memory_space<vmem>> -> memref<20x512xi32, #tpu.memory_space<vmem>>
    %dma_start3A_38 = arith.constant 0 : i32
    %dma_start3A_39 = tpu.memref_slice %arg2[%dma_start3A_38, %add3A_26] : memref<20x4096xi32, #tpu.memory_space<hbm>> -> memref<20x512xi32, #tpu.memory_space<hbm>>
    tpu.enqueue_dma source(%dma_start3A_39 : memref<20x512xi32, #tpu.memory_space<hbm>>) target(%dma_start3A_37 : memref<20x512xi32, #tpu.memory_space<vmem>>) target_semaphore(%arg10 : memref<!tpu.dma_semaphore, #tpu.memory_space<semaphore_mem>>)
    %dma_wait3A_40 = arith.constant 0 : i32
    %dma_wait3A_41 = arith.constant 0 : i32
    %dma_wait3A_42 = arith.constant 0 : i32
    %dma_wait3A_43 = tpu.memref_slice %arg6[%dma_wait3A_40, %dma_wait3A_41, %dma_wait3A_42] : memref<2x20x512xi32, #tpu.memory_space<vmem>> -> memref<1x20x512xi32, #tpu.memory_space<vmem>>
    %dma_wait3A_44 = tpu.memref_squeeze %dma_wait3A_43 : memref<1x20x512xi32, #tpu.memory_space<vmem>> -> memref<20x512xi32, #tpu.memory_space<vmem>>
    %dma_wait3A_45 = arith.constant 0 : i32
    %dma_wait3A_46 = tpu.memref_slice %arg2[%dma_wait3A_45, %add3A_6] : memref<20x4096xi32, #tpu.memory_space<hbm>> -> memref<20x512xi32, #tpu.memory_space<hbm>>
    %dma_wait3A_47 = arith.constant 0 : i32
    %dma_wait3A_48 = arith.constant 0 : i32
    %dma_wait3A_49 = tpu.memref_slice %arg6[%dma_wait3A_40, %dma_wait3A_47, %dma_wait3A_48] : memref<2x20x512xi32, #tpu.memory_space<vmem>> -> memref<1x20x512xi32, #tpu.memory_space<vmem>>
    %dma_wait3A_50 = tpu.memref_squeeze %dma_wait3A_49 : memref<1x20x512xi32, #tpu.memory_space<vmem>> -> memref<20x512xi32, #tpu.memory_space<vmem>>
    %dma_wait3A_51 = arith.constant 0 : i32
    %dma_wait3A_52 = tpu.memref_slice %arg2[%dma_wait3A_51, %add3A_6] : memref<20x4096xi32, #tpu.memory_space<hbm>> -> memref<20x512xi32, #tpu.memory_space<hbm>>
    tpu.wait_dma2 semaphore(%arg9 : memref<!tpu.dma_semaphore, #tpu.memory_space<semaphore_mem>>) src(%dma_wait3A_52 : memref<20x512xi32, #tpu.memory_space<hbm>>) dst(%dma_wait3A_50 : memref<20x512xi32, #tpu.memory_space<vmem>>)
    %scan3A = arith.constant 0 : i32
    %scan3A_53 = arith.constant 0 : i32
    %scan3A_54 = arith.constant 32 : i32
    %scan3A_55 = arith.addi %scan3A_53, %scan3A_54 : i32
    %scan3A_56 = arith.constant 1 : i32
    scf.for %scan3A_145 = %scan3A_53 to %scan3A_55 step %scan3A_56  : i32 {
      %mul3A_146 = arith.constant 16 : i32
      %mul3A_147 = arith.muli %scan3A_145, %mul3A_146 : i32
      %get3A = arith.constant 0 : i32
      %get3A_148 = arith.constant 0 : i32
      %get3A_149 = arith.index_cast %get3A : i32 to index
      %get3A_150 = arith.index_cast %get3A_148 : i32 to index
      %get3A_151 = arith.index_cast %mul3A_147 : i32 to index
      %get3A_152 = tpu.vector_load %arg6[%get3A_149, %get3A_150, %get3A_151] {strides = array<i32>} : memref<2x20x512xi32, #tpu.memory_space<vmem>>, vector<16xi32>,
      %gather3A = tpu.vector_load_idx %arg5[%get3A_152] : memref<100000xf32, #tpu.memory_space<vmem>>[vector<16xi32>], vector<16xf32>,
      %mul3A_153 = arith.constant 16 : i32
      %mul3A_154 = arith.muli %scan3A_145, %mul3A_153 : i32
      %get3A_155 = arith.constant 0 : i32
      %get3A_156 = arith.constant 1 : i32
      %get3A_157 = arith.index_cast %get3A_155 : i32 to index
      %get3A_158 = arith.index_cast %get3A_156 : i32 to index
      %get3A_159 = arith.index_cast %mul3A_154 : i32 to index
      %get3A_160 = tpu.vector_load %arg6[%get3A_157, %get3A_158, %get3A_159] {strides = array<i32>} : memref<2x20x512xi32, #tpu.memory_space<vmem>>, vector<16xi32>,
      %gather3A_161 = tpu.vector_load_idx %arg5[%get3A_160] : memref<100000xf32, #tpu.memory_space<vmem>>[vector<16xi32>], vector<16xf32>,
      %add3A_162 = arith.addf %gather3A, %gather3A_161 : vector<16xf32>
      %mul3A_163 = arith.constant 16 : i32
      %mul3A_164 = arith.muli %scan3A_145, %mul3A_163 : i32
      %get3A_165 = arith.constant 0 : i32
      %get3A_166 = arith.constant 2 : i32
      %get3A_167 = arith.index_cast %get3A_165 : i32 to index
      %get3A_168 = arith.index_cast %get3A_166 : i32 to index
      %get3A_169 = arith.index_cast %mul3A_164 : i32 to index
      %get3A_170 = tpu.vector_load %arg6[%get3A_167, %get3A_168, %get3A_169] {strides = array<i32>} : memref<2x20x512xi32, #tpu.memory_space<vmem>>, vector<16xi32>,
      %gather3A_171 = tpu.vector_load_idx %arg5[%get3A_170] : memref<100000xf32, #tpu.memory_space<vmem>>[vector<16xi32>], vector<16xf32>,
      %add3A_172 = arith.addf %add3A_162, %gather3A_171 : vector<16xf32>
      %mul3A_173 = arith.constant 16 : i32
      %mul3A_174 = arith.muli %scan3A_145, %mul3A_173 : i32
      %get3A_175 = arith.constant 0 : i32
      %get3A_176 = arith.constant 3 : i32
      %get3A_177 = arith.index_cast %get3A_175 : i32 to index
      %get3A_178 = arith.index_cast %get3A_176 : i32 to index
      %get3A_179 = arith.index_cast %mul3A_174 : i32 to index
      %get3A_180 = tpu.vector_load %arg6[%get3A_177, %get3A_178, %get3A_179] {strides = array<i32>} : memref<2x20x512xi32, #tpu.memory_space<vmem>>, vector<16xi32>,
      %gather3A_181 = tpu.vector_load_idx %arg5[%get3A_180] : memref<100000xf32, #tpu.memory_space<vmem>>[vector<16xi32>], vector<16xf32>,
      %add3A_182 = arith.addf %add3A_172, %gather3A_181 : vector<16xf32>
      %mul3A_183 = arith.constant 16 : i32
      %mul3A_184 = arith.muli %scan3A_145, %mul3A_183 : i32
      %get3A_185 = arith.constant 0 : i32
      %get3A_186 = arith.constant 4 : i32
      %get3A_187 = arith.index_cast %get3A_185 : i32 to index
      %get3A_188 = arith.index_cast %get3A_186 : i32 to index
      %get3A_189 = arith.index_cast %mul3A_184 : i32 to index
      %get3A_190 = tpu.vector_load %arg6[%get3A_187, %get3A_188, %get3A_189] {strides = array<i32>} : memref<2x20x512xi32, #tpu.memory_space<vmem>>, vector<16xi32>,
      %gather3A_191 = tpu.vector_load_idx %arg5[%get3A_190] : memref<100000xf32, #tpu.memory_space<vmem>>[vector<16xi32>], vector<16xf32>,
      %add3A_192 = arith.addf %add3A_182, %gather3A_191 : vector<16xf32>
      %mul3A_193 = arith.constant 16 : i32
      %mul3A_194 = arith.muli %scan3A_145, %mul3A_193 : i32
      %get3A_195 = arith.constant 0 : i32
      %get3A_196 = arith.constant 5 : i32
      %get3A_197 = arith.index_cast %get3A_195 : i32 to index
      %get3A_198 = arith.index_cast %get3A_196 : i32 to index
      %get3A_199 = arith.index_cast %mul3A_194 : i32 to index
      %get3A_200 = tpu.vector_load %arg6[%get3A_197, %get3A_198, %get3A_199] {strides = array<i32>} : memref<2x20x512xi32, #tpu.memory_space<vmem>>, vector<16xi32>,
      %gather3A_201 = tpu.vector_load_idx %arg5[%get3A_200] : memref<100000xf32, #tpu.memory_space<vmem>>[vector<16xi32>], vector<16xf32>,
      %add3A_202 = arith.addf %add3A_192, %gather3A_201 : vector<16xf32>
      %mul3A_203 = arith.constant 16 : i32
      %mul3A_204 = arith.muli %scan3A_145, %mul3A_203 : i32
      %get3A_205 = arith.constant 0 : i32
      %get3A_206 = arith.constant 6 : i32
      %get3A_207 = arith.index_cast %get3A_205 : i32 to index
      %get3A_208 = arith.index_cast %get3A_206 : i32 to index
      %get3A_209 = arith.index_cast %mul3A_204 : i32 to index
      %get3A_210 = tpu.vector_load %arg6[%get3A_207, %get3A_208, %get3A_209] {strides = array<i32>} : memref<2x20x512xi32, #tpu.memory_space<vmem>>, vector<16xi32>,
      %gather3A_211 = tpu.vector_load_idx %arg5[%get3A_210] : memref<100000xf32, #tpu.memory_space<vmem>>[vector<16xi32>], vector<16xf32>,
      %add3A_212 = arith.addf %add3A_202, %gather3A_211 : vector<16xf32>
      %mul3A_213 = arith.constant 16 : i32
      %mul3A_214 = arith.muli %scan3A_145, %mul3A_213 : i32
      %get3A_215 = arith.constant 0 : i32
      %get3A_216 = arith.constant 7 : i32
      %get3A_217 = arith.index_cast %get3A_215 : i32 to index
      %get3A_218 = arith.index_cast %get3A_216 : i32 to index
      %get3A_219 = arith.index_cast %mul3A_214 : i32 to index
      %get3A_220 = tpu.vector_load %arg6[%get3A_217, %get3A_218, %get3A_219] {strides = array<i32>} : memref<2x20x512xi32, #tpu.memory_space<vmem>>, vector<16xi32>,
      %gather3A_221 = tpu.vector_load_idx %arg5[%get3A_220] : memref<100000xf32, #tpu.memory_space<vmem>>[vector<16xi32>], vector<16xf32>,
      %add3A_222 = arith.addf %add3A_212, %gather3A_221 : vector<16xf32>
      %mul3A_223 = arith.constant 16 : i32
      %mul3A_224 = arith.muli %scan3A_145, %mul3A_223 : i32
      %get3A_225 = arith.constant 0 : i32
      %get3A_226 = arith.constant 8 : i32
      %get3A_227 = arith.index_cast %get3A_225 : i32 to index
      %get3A_228 = arith.index_cast %get3A_226 : i32 to index
      %get3A_229 = arith.index_cast %mul3A_224 : i32 to index
      %get3A_230 = tpu.vector_load %arg6[%get3A_227, %get3A_228, %get3A_229] {strides = array<i32>} : memref<2x20x512xi32, #tpu.memory_space<vmem>>, vector<16xi32>,
      %gather3A_231 = tpu.vector_load_idx %arg5[%get3A_230] : memref<100000xf32, #tpu.memory_space<vmem>>[vector<16xi32>], vector<16xf32>,
      %add3A_232 = arith.addf %add3A_222, %gather3A_231 : vector<16xf32>
      %mul3A_233 = arith.constant 16 : i32
      %mul3A_234 = arith.muli %scan3A_145, %mul3A_233 : i32
      %get3A_235 = arith.constant 0 : i32
      %get3A_236 = arith.constant 9 : i32
      %get3A_237 = arith.index_cast %get3A_235 : i32 to index
      %get3A_238 = arith.index_cast %get3A_236 : i32 to index
      %get3A_239 = arith.index_cast %mul3A_234 : i32 to index
      %get3A_240 = tpu.vector_load %arg6[%get3A_237, %get3A_238, %get3A_239] {strides = array<i32>} : memref<2x20x512xi32, #tpu.memory_space<vmem>>, vector<16xi32>,
      %gather3A_241 = tpu.vector_load_idx %arg5[%get3A_240] : memref<100000xf32, #tpu.memory_space<vmem>>[vector<16xi32>], vector<16xf32>,
      %add3A_242 = arith.addf %add3A_232, %gather3A_241 : vector<16xf32>
      %mul3A_243 = arith.constant 16 : i32
      %mul3A_244 = arith.muli %scan3A_145, %mul3A_243 : i32
      %get3A_245 = arith.constant 0 : i32
      %get3A_246 = arith.constant 10 : i32
      %get3A_247 = arith.index_cast %get3A_245 : i32 to index
      %get3A_248 = arith.index_cast %get3A_246 : i32 to index
      %get3A_249 = arith.index_cast %mul3A_244 : i32 to index
      %get3A_250 = tpu.vector_load %arg6[%get3A_247, %get3A_248, %get3A_249] {strides = array<i32>} : memref<2x20x512xi32, #tpu.memory_space<vmem>>, vector<16xi32>,
      %gather3A_251 = tpu.vector_load_idx %arg5[%get3A_250] : memref<100000xf32, #tpu.memory_space<vmem>>[vector<16xi32>], vector<16xf32>,
      %add3A_252 = arith.addf %add3A_242, %gather3A_251 : vector<16xf32>
      %mul3A_253 = arith.constant 16 : i32
      %mul3A_254 = arith.muli %scan3A_145, %mul3A_253 : i32
      %get3A_255 = arith.constant 0 : i32
      %get3A_256 = arith.constant 11 : i32
      %get3A_257 = arith.index_cast %get3A_255 : i32 to index
      %get3A_258 = arith.index_cast %get3A_256 : i32 to index
      %get3A_259 = arith.index_cast %mul3A_254 : i32 to index
      %get3A_260 = tpu.vector_load %arg6[%get3A_257, %get3A_258, %get3A_259] {strides = array<i32>} : memref<2x20x512xi32, #tpu.memory_space<vmem>>, vector<16xi32>,
      %gather3A_261 = tpu.vector_load_idx %arg5[%get3A_260] : memref<100000xf32, #tpu.memory_space<vmem>>[vector<16xi32>], vector<16xf32>,
      %add3A_262 = arith.addf %add3A_252, %gather3A_261 : vector<16xf32>
      %mul3A_263 = arith.constant 16 : i32
      %mul3A_264 = arith.muli %scan3A_145, %mul3A_263 : i32
      %get3A_265 = arith.constant 0 : i32
      %get3A_266 = arith.constant 12 : i32
      %get3A_267 = arith.index_cast %get3A_265 : i32 to index
      %get3A_268 = arith.index_cast %get3A_266 : i32 to index
      %get3A_269 = arith.index_cast %mul3A_264 : i32 to index
      %get3A_270 = tpu.vector_load %arg6[%get3A_267, %get3A_268, %get3A_269] {strides = array<i32>} : memref<2x20x512xi32, #tpu.memory_space<vmem>>, vector<16xi32>,
      %gather3A_271 = tpu.vector_load_idx %arg5[%get3A_270] : memref<100000xf32, #tpu.memory_space<vmem>>[vector<16xi32>], vector<16xf32>,
      %add3A_272 = arith.addf %add3A_262, %gather3A_271 : vector<16xf32>
      %mul3A_273 = arith.constant 16 : i32
      %mul3A_274 = arith.muli %scan3A_145, %mul3A_273 : i32
      %get3A_275 = arith.constant 0 : i32
      %get3A_276 = arith.constant 13 : i32
      %get3A_277 = arith.index_cast %get3A_275 : i32 to index
      %get3A_278 = arith.index_cast %get3A_276 : i32 to index
      %get3A_279 = arith.index_cast %mul3A_274 : i32 to index
      %get3A_280 = tpu.vector_load %arg6[%get3A_277, %get3A_278, %get3A_279] {strides = array<i32>} : memref<2x20x512xi32, #tpu.memory_space<vmem>>, vector<16xi32>,
      %gather3A_281 = tpu.vector_load_idx %arg5[%get3A_280] : memref<100000xf32, #tpu.memory_space<vmem>>[vector<16xi32>], vector<16xf32>,
      %add3A_282 = arith.addf %add3A_272, %gather3A_281 : vector<16xf32>
      %mul3A_283 = arith.constant 16 : i32
      %mul3A_284 = arith.muli %scan3A_145, %mul3A_283 : i32
      %get3A_285 = arith.constant 0 : i32
      %get3A_286 = arith.constant 14 : i32
      %get3A_287 = arith.index_cast %get3A_285 : i32 to index
      %get3A_288 = arith.index_cast %get3A_286 : i32 to index
      %get3A_289 = arith.index_cast %mul3A_284 : i32 to index
      %get3A_290 = tpu.vector_load %arg6[%get3A_287, %get3A_288, %get3A_289] {strides = array<i32>} : memref<2x20x512xi32, #tpu.memory_space<vmem>>, vector<16xi32>,
      %gather3A_291 = tpu.vector_load_idx %arg5[%get3A_290] : memref<100000xf32, #tpu.memory_space<vmem>>[vector<16xi32>], vector<16xf32>,
      %add3A_292 = arith.addf %add3A_282, %gather3A_291 : vector<16xf32>
      %mul3A_293 = arith.constant 16 : i32
      %mul3A_294 = arith.muli %scan3A_145, %mul3A_293 : i32
      %get3A_295 = arith.constant 0 : i32
      %get3A_296 = arith.constant 15 : i32
      %get3A_297 = arith.index_cast %get3A_295 : i32 to index
      %get3A_298 = arith.index_cast %get3A_296 : i32 to index
      %get3A_299 = arith.index_cast %mul3A_294 : i32 to index
      %get3A_300 = tpu.vector_load %arg6[%get3A_297, %get3A_298, %get3A_299] {strides = array<i32>} : memref<2x20x512xi32, #tpu.memory_space<vmem>>, vector<16xi32>,
      %gather3A_301 = tpu.vector_load_idx %arg5[%get3A_300] : memref<100000xf32, #tpu.memory_space<vmem>>[vector<16xi32>], vector<16xf32>,
      %add3A_302 = arith.addf %add3A_292, %gather3A_301 : vector<16xf32>
      %mul3A_303 = arith.constant 16 : i32
      %mul3A_304 = arith.muli %scan3A_145, %mul3A_303 : i32
      %get3A_305 = arith.constant 0 : i32
      %get3A_306 = arith.constant 16 : i32
      %get3A_307 = arith.index_cast %get3A_305 : i32 to index
      %get3A_308 = arith.index_cast %get3A_306 : i32 to index
      %get3A_309 = arith.index_cast %mul3A_304 : i32 to index
      %get3A_310 = tpu.vector_load %arg6[%get3A_307, %get3A_308, %get3A_309] {strides = array<i32>} : memref<2x20x512xi32, #tpu.memory_space<vmem>>, vector<16xi32>,
      %gather3A_311 = tpu.vector_load_idx %arg5[%get3A_310] : memref<100000xf32, #tpu.memory_space<vmem>>[vector<16xi32>], vector<16xf32>,
      %add3A_312 = arith.addf %add3A_302, %gather3A_311 : vector<16xf32>
      %mul3A_313 = arith.constant 16 : i32
      %mul3A_314 = arith.muli %scan3A_145, %mul3A_313 : i32
      %get3A_315 = arith.constant 0 : i32
      %get3A_316 = arith.constant 17 : i32
      %get3A_317 = arith.index_cast %get3A_315 : i32 to index
      %get3A_318 = arith.index_cast %get3A_316 : i32 to index
      %get3A_319 = arith.index_cast %mul3A_314 : i32 to index
      %get3A_320 = tpu.vector_load %arg6[%get3A_317, %get3A_318, %get3A_319] {strides = array<i32>} : memref<2x20x512xi32, #tpu.memory_space<vmem>>, vector<16xi32>,
      %gather3A_321 = tpu.vector_load_idx %arg5[%get3A_320] : memref<100000xf32, #tpu.memory_space<vmem>>[vector<16xi32>], vector<16xf32>,
      %add3A_322 = arith.addf %add3A_312, %gather3A_321 : vector<16xf32>
      %mul3A_323 = arith.constant 16 : i32
      %mul3A_324 = arith.muli %scan3A_145, %mul3A_323 : i32
      %get3A_325 = arith.constant 0 : i32
      %get3A_326 = arith.constant 18 : i32
      %get3A_327 = arith.index_cast %get3A_325 : i32 to index
      %get3A_328 = arith.index_cast %get3A_326 : i32 to index
      %get3A_329 = arith.index_cast %mul3A_324 : i32 to index
      %get3A_330 = tpu.vector_load %arg6[%get3A_327, %get3A_328, %get3A_329] {strides = array<i32>} : memref<2x20x512xi32, #tpu.memory_space<vmem>>, vector<16xi32>,
      %gather3A_331 = tpu.vector_load_idx %arg5[%get3A_330] : memref<100000xf32, #tpu.memory_space<vmem>>[vector<16xi32>], vector<16xf32>,
      %add3A_332 = arith.addf %add3A_322, %gather3A_331 : vector<16xf32>
      %mul3A_333 = arith.constant 16 : i32
      %mul3A_334 = arith.muli %scan3A_145, %mul3A_333 : i32
      %get3A_335 = arith.constant 0 : i32
      %get3A_336 = arith.constant 19 : i32
      %get3A_337 = arith.index_cast %get3A_335 : i32 to index
      %get3A_338 = arith.index_cast %get3A_336 : i32 to index
      %get3A_339 = arith.index_cast %mul3A_334 : i32 to index
      %get3A_340 = tpu.vector_load %arg6[%get3A_337, %get3A_338, %get3A_339] {strides = array<i32>} : memref<2x20x512xi32, #tpu.memory_space<vmem>>, vector<16xi32>,
      %gather3A_341 = tpu.vector_load_idx %arg5[%get3A_340] : memref<100000xf32, #tpu.memory_space<vmem>>[vector<16xi32>], vector<16xf32>,
      %add3A_342 = arith.addf %add3A_332, %gather3A_341 : vector<16xf32>
      %mul3A_343 = arith.constant 16 : i32
      %mul3A_344 = arith.muli %scan3A_145, %mul3A_343 : i32
      %add3A_345 = arith.constant 0 : i32
      %add3A_346 = arith.addi %add3A_345, %mul3A_344 : i32
      %mul3A_347 = arith.constant 5.000000e-02 : f32
      %mul3A_348 = vector.broadcast %mul3A_347 : f32 to vector<16xf32>
      %mul3A_349 = arith.mulf %add3A_342, %mul3A_348 : vector<16xf32>
      %swap3A = arith.index_cast %add3A_346 : i32 to index
      %swap3A_350 = tpu.vector_load %arg7[%swap3A] {strides = array<i32>} : memref<2048xf32, #tpu.memory_space<vmem>>, vector<16xf32>,
      tpu.vector_store %arg7[%swap3A], %mul3A_349 {strides = array<i32>} : memref<2048xf32, #tpu.memory_space<vmem>>, vector<16xf32>,
    }
    %scan3A_57 = arith.constant 32 : i32
    %add3A_58 = arith.constant 1024 : i32
    %add3A_59 = arith.addi %mul3A_0, %add3A_58 : i32
    %dma_start3A_60 = arith.constant 0 : i32
    %dma_start3A_61 = arith.constant 0 : i32
    %dma_start3A_62 = arith.constant 0 : i32
    %dma_start3A_63 = tpu.memref_slice %arg6[%dma_start3A_60, %dma_start3A_61, %dma_start3A_62] : memref<2x20x512xi32, #tpu.memory_space<vmem>> -> memref<1x20x512xi32, #tpu.memory_space<vmem>>
    %dma_start3A_64 = tpu.memref_squeeze %dma_start3A_63 : memref<1x20x512xi32, #tpu.memory_space<vmem>> -> memref<20x512xi32, #tpu.memory_space<vmem>>
    %dma_start3A_65 = arith.constant 0 : i32
    %dma_start3A_66 = tpu.memref_slice %arg2[%dma_start3A_65, %add3A_59] : memref<20x4096xi32, #tpu.memory_space<hbm>> -> memref<20x512xi32, #tpu.memory_space<hbm>>
    %dma_start3A_67 = arith.constant 0 : i32
    %dma_start3A_68 = arith.constant 0 : i32
    %dma_start3A_69 = tpu.memref_slice %arg6[%dma_start3A_60, %dma_start3A_67, %dma_start3A_68] : memref<2x20x512xi32, #tpu.memory_space<vmem>> -> memref<1x20x512xi32, #tpu.memory_space<vmem>>
    %dma_start3A_70 = tpu.memref_squeeze %dma_start3A_69 : memref<1x20x512xi32, #tpu.memory_space<vmem>> -> memref<20x512xi32, #tpu.memory_space<vmem>>
    %dma_start3A_71 = arith.constant 0 : i32
    %dma_start3A_72 = tpu.memref_slice %arg2[%dma_start3A_71, %add3A_59] : memref<20x4096xi32, #tpu.memory_space<hbm>> -> memref<20x512xi32, #tpu.memory_space<hbm>>
    tpu.enqueue_dma source(%dma_start3A_72 : memref<20x512xi32, #tpu.memory_space<hbm>>) target(%dma_start3A_70 : memref<20x512xi32, #tpu.memory_space<vmem>>) target_semaphore(%arg9 : memref<!tpu.dma_semaphore, #tpu.memory_space<semaphore_mem>>)
    %dma_wait3A_73 = arith.constant 1 : i32
    %dma_wait3A_74 = arith.constant 0 : i32
    %dma_wait3A_75 = arith.constant 0 : i32
    %dma_wait3A_76 = tpu.memref_slice %arg6[%dma_wait3A_73, %dma_wait3A_74, %dma_wait3A_75] : memref<2x20x512xi32, #tpu.memory_space<vmem>> -> memref<1x20x512xi32, #tpu.memory_space<vmem>>
    %dma_wait3A_77 = tpu.memref_squeeze %dma_wait3A_76 : memref<1x20x512xi32, #tpu.memory_space<vmem>> -> memref<20x512xi32, #tpu.memory_space<vmem>>
    %dma_wait3A_78 = arith.constant 0 : i32
    %dma_wait3A_79 = tpu.memref_slice %arg2[%dma_wait3A_78, %add3A_26] : memref<20x4096xi32, #tpu.memory_space<hbm>> -> memref<20x512xi32, #tpu.memory_space<hbm>>
    %dma_wait3A_80 = arith.constant 0 : i32
    %dma_wait3A_81 = arith.constant 0 : i32
    %dma_wait3A_82 = tpu.memref_slice %arg6[%dma_wait3A_73, %dma_wait3A_80, %dma_wait3A_81] : memref<2x20x512xi32, #tpu.memory_space<vmem>> -> memref<1x20x512xi32, #tpu.memory_space<vmem>>
    %dma_wait3A_83 = tpu.memref_squeeze %dma_wait3A_82 : memref<1x20x512xi32, #tpu.memory_space<vmem>> -> memref<20x512xi32, #tpu.memory_space<vmem>>
    %dma_wait3A_84 = arith.constant 0 : i32
    %dma_wait3A_85 = tpu.memref_slice %arg2[%dma_wait3A_84, %add3A_26] : memref<20x4096xi32, #tpu.memory_space<hbm>> -> memref<20x512xi32, #tpu.memory_space<hbm>>
    tpu.wait_dma2 semaphore(%arg10 : memref<!tpu.dma_semaphore, #tpu.memory_space<semaphore_mem>>) src(%dma_wait3A_85 : memref<20x512xi32, #tpu.memory_space<hbm>>) dst(%dma_wait3A_83 : memref<20x512xi32, #tpu.memory_space<vmem>>)
    %scan3A_86 = arith.constant 0 : i32
    %scan3A_87 = arith.constant 0 : i32
    %scan3A_88 = arith.constant 32 : i32
    %scan3A_89 = arith.addi %scan3A_87, %scan3A_88 : i32
    %scan3A_90 = arith.constant 1 : i32
    scf.for %scan3A_145 = %scan3A_87 to %scan3A_89 step %scan3A_90  : i32 {
      %mul3A_146 = arith.constant 16 : i32
      %mul3A_147 = arith.muli %scan3A_145, %mul3A_146 : i32
      %get3A = arith.constant 1 : i32
      %get3A_148 = arith.constant 0 : i32
      %get3A_149 = arith.index_cast %get3A : i32 to index
      %get3A_150 = arith.index_cast %get3A_148 : i32 to index
      %get3A_151 = arith.index_cast %mul3A_147 : i32 to index
      %get3A_152 = tpu.vector_load %arg6[%get3A_149, %get3A_150, %get3A_151] {strides = array<i32>} : memref<2x20x512xi32, #tpu.memory_space<vmem>>, vector<16xi32>,
      %gather3A = tpu.vector_load_idx %arg5[%get3A_152] : memref<100000xf32, #tpu.memory_space<vmem>>[vector<16xi32>], vector<16xf32>,
      %mul3A_153 = arith.constant 16 : i32
      %mul3A_154 = arith.muli %scan3A_145, %mul3A_153 : i32
      %get3A_155 = arith.constant 1 : i32
      %get3A_156 = arith.constant 1 : i32
      %get3A_157 = arith.index_cast %get3A_155 : i32 to index
      %get3A_158 = arith.index_cast %get3A_156 : i32 to index
      %get3A_159 = arith.index_cast %mul3A_154 : i32 to index
      %get3A_160 = tpu.vector_load %arg6[%get3A_157, %get3A_158, %get3A_159] {strides = array<i32>} : memref<2x20x512xi32, #tpu.memory_space<vmem>>, vector<16xi32>,
      %gather3A_161 = tpu.vector_load_idx %arg5[%get3A_160] : memref<100000xf32, #tpu.memory_space<vmem>>[vector<16xi32>], vector<16xf32>,
      %add3A_162 = arith.addf %gather3A, %gather3A_161 : vector<16xf32>
      %mul3A_163 = arith.constant 16 : i32
      %mul3A_164 = arith.muli %scan3A_145, %mul3A_163 : i32
      %get3A_165 = arith.constant 1 : i32
      %get3A_166 = arith.constant 2 : i32
      %get3A_167 = arith.index_cast %get3A_165 : i32 to index
      %get3A_168 = arith.index_cast %get3A_166 : i32 to index
      %get3A_169 = arith.index_cast %mul3A_164 : i32 to index
      %get3A_170 = tpu.vector_load %arg6[%get3A_167, %get3A_168, %get3A_169] {strides = array<i32>} : memref<2x20x512xi32, #tpu.memory_space<vmem>>, vector<16xi32>,
      %gather3A_171 = tpu.vector_load_idx %arg5[%get3A_170] : memref<100000xf32, #tpu.memory_space<vmem>>[vector<16xi32>], vector<16xf32>,
      %add3A_172 = arith.addf %add3A_162, %gather3A_171 : vector<16xf32>
      %mul3A_173 = arith.constant 16 : i32
      %mul3A_174 = arith.muli %scan3A_145, %mul3A_173 : i32
      %get3A_175 = arith.constant 1 : i32
      %get3A_176 = arith.constant 3 : i32
      %get3A_177 = arith.index_cast %get3A_175 : i32 to index
      %get3A_178 = arith.index_cast %get3A_176 : i32 to index
      %get3A_179 = arith.index_cast %mul3A_174 : i32 to index
      %get3A_180 = tpu.vector_load %arg6[%get3A_177, %get3A_178, %get3A_179] {strides = array<i32>} : memref<2x20x512xi32, #tpu.memory_space<vmem>>, vector<16xi32>,
      %gather3A_181 = tpu.vector_load_idx %arg5[%get3A_180] : memref<100000xf32, #tpu.memory_space<vmem>>[vector<16xi32>], vector<16xf32>,
      %add3A_182 = arith.addf %add3A_172, %gather3A_181 : vector<16xf32>
      %mul3A_183 = arith.constant 16 : i32
      %mul3A_184 = arith.muli %scan3A_145, %mul3A_183 : i32
      %get3A_185 = arith.constant 1 : i32
      %get3A_186 = arith.constant 4 : i32
      %get3A_187 = arith.index_cast %get3A_185 : i32 to index
      %get3A_188 = arith.index_cast %get3A_186 : i32 to index
      %get3A_189 = arith.index_cast %mul3A_184 : i32 to index
      %get3A_190 = tpu.vector_load %arg6[%get3A_187, %get3A_188, %get3A_189] {strides = array<i32>} : memref<2x20x512xi32, #tpu.memory_space<vmem>>, vector<16xi32>,
      %gather3A_191 = tpu.vector_load_idx %arg5[%get3A_190] : memref<100000xf32, #tpu.memory_space<vmem>>[vector<16xi32>], vector<16xf32>,
      %add3A_192 = arith.addf %add3A_182, %gather3A_191 : vector<16xf32>
      %mul3A_193 = arith.constant 16 : i32
      %mul3A_194 = arith.muli %scan3A_145, %mul3A_193 : i32
      %get3A_195 = arith.constant 1 : i32
      %get3A_196 = arith.constant 5 : i32
      %get3A_197 = arith.index_cast %get3A_195 : i32 to index
      %get3A_198 = arith.index_cast %get3A_196 : i32 to index
      %get3A_199 = arith.index_cast %mul3A_194 : i32 to index
      %get3A_200 = tpu.vector_load %arg6[%get3A_197, %get3A_198, %get3A_199] {strides = array<i32>} : memref<2x20x512xi32, #tpu.memory_space<vmem>>, vector<16xi32>,
      %gather3A_201 = tpu.vector_load_idx %arg5[%get3A_200] : memref<100000xf32, #tpu.memory_space<vmem>>[vector<16xi32>], vector<16xf32>,
      %add3A_202 = arith.addf %add3A_192, %gather3A_201 : vector<16xf32>
      %mul3A_203 = arith.constant 16 : i32
      %mul3A_204 = arith.muli %scan3A_145, %mul3A_203 : i32
      %get3A_205 = arith.constant 1 : i32
      %get3A_206 = arith.constant 6 : i32
      %get3A_207 = arith.index_cast %get3A_205 : i32 to index
      %get3A_208 = arith.index_cast %get3A_206 : i32 to index
      %get3A_209 = arith.index_cast %mul3A_204 : i32 to index
      %get3A_210 = tpu.vector_load %arg6[%get3A_207, %get3A_208, %get3A_209] {strides = array<i32>} : memref<2x20x512xi32, #tpu.memory_space<vmem>>, vector<16xi32>,
      %gather3A_211 = tpu.vector_load_idx %arg5[%get3A_210] : memref<100000xf32, #tpu.memory_space<vmem>>[vector<16xi32>], vector<16xf32>,
      %add3A_212 = arith.addf %add3A_202, %gather3A_211 : vector<16xf32>
      %mul3A_213 = arith.constant 16 : i32
      %mul3A_214 = arith.muli %scan3A_145, %mul3A_213 : i32
      %get3A_215 = arith.constant 1 : i32
      %get3A_216 = arith.constant 7 : i32
      %get3A_217 = arith.index_cast %get3A_215 : i32 to index
      %get3A_218 = arith.index_cast %get3A_216 : i32 to index
      %get3A_219 = arith.index_cast %mul3A_214 : i32 to index
      %get3A_220 = tpu.vector_load %arg6[%get3A_217, %get3A_218, %get3A_219] {strides = array<i32>} : memref<2x20x512xi32, #tpu.memory_space<vmem>>, vector<16xi32>,
      %gather3A_221 = tpu.vector_load_idx %arg5[%get3A_220] : memref<100000xf32, #tpu.memory_space<vmem>>[vector<16xi32>], vector<16xf32>,
      %add3A_222 = arith.addf %add3A_212, %gather3A_221 : vector<16xf32>
      %mul3A_223 = arith.constant 16 : i32
      %mul3A_224 = arith.muli %scan3A_145, %mul3A_223 : i32
      %get3A_225 = arith.constant 1 : i32
      %get3A_226 = arith.constant 8 : i32
      %get3A_227 = arith.index_cast %get3A_225 : i32 to index
      %get3A_228 = arith.index_cast %get3A_226 : i32 to index
      %get3A_229 = arith.index_cast %mul3A_224 : i32 to index
      %get3A_230 = tpu.vector_load %arg6[%get3A_227, %get3A_228, %get3A_229] {strides = array<i32>} : memref<2x20x512xi32, #tpu.memory_space<vmem>>, vector<16xi32>,
      %gather3A_231 = tpu.vector_load_idx %arg5[%get3A_230] : memref<100000xf32, #tpu.memory_space<vmem>>[vector<16xi32>], vector<16xf32>,
      %add3A_232 = arith.addf %add3A_222, %gather3A_231 : vector<16xf32>
      %mul3A_233 = arith.constant 16 : i32
      %mul3A_234 = arith.muli %scan3A_145, %mul3A_233 : i32
      %get3A_235 = arith.constant 1 : i32
      %get3A_236 = arith.constant 9 : i32
      %get3A_237 = arith.index_cast %get3A_235 : i32 to index
      %get3A_238 = arith.index_cast %get3A_236 : i32 to index
      %get3A_239 = arith.index_cast %mul3A_234 : i32 to index
      %get3A_240 = tpu.vector_load %arg6[%get3A_237, %get3A_238, %get3A_239] {strides = array<i32>} : memref<2x20x512xi32, #tpu.memory_space<vmem>>, vector<16xi32>,
      %gather3A_241 = tpu.vector_load_idx %arg5[%get3A_240] : memref<100000xf32, #tpu.memory_space<vmem>>[vector<16xi32>], vector<16xf32>,
      %add3A_242 = arith.addf %add3A_232, %gather3A_241 : vector<16xf32>
      %mul3A_243 = arith.constant 16 : i32
      %mul3A_244 = arith.muli %scan3A_145, %mul3A_243 : i32
      %get3A_245 = arith.constant 1 : i32
      %get3A_246 = arith.constant 10 : i32
      %get3A_247 = arith.index_cast %get3A_245 : i32 to index
      %get3A_248 = arith.index_cast %get3A_246 : i32 to index
      %get3A_249 = arith.index_cast %mul3A_244 : i32 to index
      %get3A_250 = tpu.vector_load %arg6[%get3A_247, %get3A_248, %get3A_249] {strides = array<i32>} : memref<2x20x512xi32, #tpu.memory_space<vmem>>, vector<16xi32>,
      %gather3A_251 = tpu.vector_load_idx %arg5[%get3A_250] : memref<100000xf32, #tpu.memory_space<vmem>>[vector<16xi32>], vector<16xf32>,
      %add3A_252 = arith.addf %add3A_242, %gather3A_251 : vector<16xf32>
      %mul3A_253 = arith.constant 16 : i32
      %mul3A_254 = arith.muli %scan3A_145, %mul3A_253 : i32
      %get3A_255 = arith.constant 1 : i32
      %get3A_256 = arith.constant 11 : i32
      %get3A_257 = arith.index_cast %get3A_255 : i32 to index
      %get3A_258 = arith.index_cast %get3A_256 : i32 to index
      %get3A_259 = arith.index_cast %mul3A_254 : i32 to index
      %get3A_260 = tpu.vector_load %arg6[%get3A_257, %get3A_258, %get3A_259] {strides = array<i32>} : memref<2x20x512xi32, #tpu.memory_space<vmem>>, vector<16xi32>,
      %gather3A_261 = tpu.vector_load_idx %arg5[%get3A_260] : memref<100000xf32, #tpu.memory_space<vmem>>[vector<16xi32>], vector<16xf32>,
      %add3A_262 = arith.addf %add3A_252, %gather3A_261 : vector<16xf32>
      %mul3A_263 = arith.constant 16 : i32
      %mul3A_264 = arith.muli %scan3A_145, %mul3A_263 : i32
      %get3A_265 = arith.constant 1 : i32
      %get3A_266 = arith.constant 12 : i32
      %get3A_267 = arith.index_cast %get3A_265 : i32 to index
      %get3A_268 = arith.index_cast %get3A_266 : i32 to index
      %get3A_269 = arith.index_cast %mul3A_264 : i32 to index
      %get3A_270 = tpu.vector_load %arg6[%get3A_267, %get3A_268, %get3A_269] {strides = array<i32>} : memref<2x20x512xi32, #tpu.memory_space<vmem>>, vector<16xi32>,
      %gather3A_271 = tpu.vector_load_idx %arg5[%get3A_270] : memref<100000xf32, #tpu.memory_space<vmem>>[vector<16xi32>], vector<16xf32>,
      %add3A_272 = arith.addf %add3A_262, %gather3A_271 : vector<16xf32>
      %mul3A_273 = arith.constant 16 : i32
      %mul3A_274 = arith.muli %scan3A_145, %mul3A_273 : i32
      %get3A_275 = arith.constant 1 : i32
      %get3A_276 = arith.constant 13 : i32
      %get3A_277 = arith.index_cast %get3A_275 : i32 to index
      %get3A_278 = arith.index_cast %get3A_276 : i32 to index
      %get3A_279 = arith.index_cast %mul3A_274 : i32 to index
      %get3A_280 = tpu.vector_load %arg6[%get3A_277, %get3A_278, %get3A_279] {strides = array<i32>} : memref<2x20x512xi32, #tpu.memory_space<vmem>>, vector<16xi32>,
      %gather3A_281 = tpu.vector_load_idx %arg5[%get3A_280] : memref<100000xf32, #tpu.memory_space<vmem>>[vector<16xi32>], vector<16xf32>,
      %add3A_282 = arith.addf %add3A_272, %gather3A_281 : vector<16xf32>
      %mul3A_283 = arith.constant 16 : i32
      %mul3A_284 = arith.muli %scan3A_145, %mul3A_283 : i32
      %get3A_285 = arith.constant 1 : i32
      %get3A_286 = arith.constant 14 : i32
      %get3A_287 = arith.index_cast %get3A_285 : i32 to index
      %get3A_288 = arith.index_cast %get3A_286 : i32 to index
      %get3A_289 = arith.index_cast %mul3A_284 : i32 to index
      %get3A_290 = tpu.vector_load %arg6[%get3A_287, %get3A_288, %get3A_289] {strides = array<i32>} : memref<2x20x512xi32, #tpu.memory_space<vmem>>, vector<16xi32>,
      %gather3A_291 = tpu.vector_load_idx %arg5[%get3A_290] : memref<100000xf32, #tpu.memory_space<vmem>>[vector<16xi32>], vector<16xf32>,
      %add3A_292 = arith.addf %add3A_282, %gather3A_291 : vector<16xf32>
      %mul3A_293 = arith.constant 16 : i32
      %mul3A_294 = arith.muli %scan3A_145, %mul3A_293 : i32
      %get3A_295 = arith.constant 1 : i32
      %get3A_296 = arith.constant 15 : i32
      %get3A_297 = arith.index_cast %get3A_295 : i32 to index
      %get3A_298 = arith.index_cast %get3A_296 : i32 to index
      %get3A_299 = arith.index_cast %mul3A_294 : i32 to index
      %get3A_300 = tpu.vector_load %arg6[%get3A_297, %get3A_298, %get3A_299] {strides = array<i32>} : memref<2x20x512xi32, #tpu.memory_space<vmem>>, vector<16xi32>,
      %gather3A_301 = tpu.vector_load_idx %arg5[%get3A_300] : memref<100000xf32, #tpu.memory_space<vmem>>[vector<16xi32>], vector<16xf32>,
      %add3A_302 = arith.addf %add3A_292, %gather3A_301 : vector<16xf32>
      %mul3A_303 = arith.constant 16 : i32
      %mul3A_304 = arith.muli %scan3A_145, %mul3A_303 : i32
      %get3A_305 = arith.constant 1 : i32
      %get3A_306 = arith.constant 16 : i32
      %get3A_307 = arith.index_cast %get3A_305 : i32 to index
      %get3A_308 = arith.index_cast %get3A_306 : i32 to index
      %get3A_309 = arith.index_cast %mul3A_304 : i32 to index
      %get3A_310 = tpu.vector_load %arg6[%get3A_307, %get3A_308, %get3A_309] {strides = array<i32>} : memref<2x20x512xi32, #tpu.memory_space<vmem>>, vector<16xi32>,
      %gather3A_311 = tpu.vector_load_idx %arg5[%get3A_310] : memref<100000xf32, #tpu.memory_space<vmem>>[vector<16xi32>], vector<16xf32>,
      %add3A_312 = arith.addf %add3A_302, %gather3A_311 : vector<16xf32>
      %mul3A_313 = arith.constant 16 : i32
      %mul3A_314 = arith.muli %scan3A_145, %mul3A_313 : i32
      %get3A_315 = arith.constant 1 : i32
      %get3A_316 = arith.constant 17 : i32
      %get3A_317 = arith.index_cast %get3A_315 : i32 to index
      %get3A_318 = arith.index_cast %get3A_316 : i32 to index
      %get3A_319 = arith.index_cast %mul3A_314 : i32 to index
      %get3A_320 = tpu.vector_load %arg6[%get3A_317, %get3A_318, %get3A_319] {strides = array<i32>} : memref<2x20x512xi32, #tpu.memory_space<vmem>>, vector<16xi32>,
      %gather3A_321 = tpu.vector_load_idx %arg5[%get3A_320] : memref<100000xf32, #tpu.memory_space<vmem>>[vector<16xi32>], vector<16xf32>,
      %add3A_322 = arith.addf %add3A_312, %gather3A_321 : vector<16xf32>
      %mul3A_323 = arith.constant 16 : i32
      %mul3A_324 = arith.muli %scan3A_145, %mul3A_323 : i32
      %get3A_325 = arith.constant 1 : i32
      %get3A_326 = arith.constant 18 : i32
      %get3A_327 = arith.index_cast %get3A_325 : i32 to index
      %get3A_328 = arith.index_cast %get3A_326 : i32 to index
      %get3A_329 = arith.index_cast %mul3A_324 : i32 to index
      %get3A_330 = tpu.vector_load %arg6[%get3A_327, %get3A_328, %get3A_329] {strides = array<i32>} : memref<2x20x512xi32, #tpu.memory_space<vmem>>, vector<16xi32>,
      %gather3A_331 = tpu.vector_load_idx %arg5[%get3A_330] : memref<100000xf32, #tpu.memory_space<vmem>>[vector<16xi32>], vector<16xf32>,
      %add3A_332 = arith.addf %add3A_322, %gather3A_331 : vector<16xf32>
      %mul3A_333 = arith.constant 16 : i32
      %mul3A_334 = arith.muli %scan3A_145, %mul3A_333 : i32
      %get3A_335 = arith.constant 1 : i32
      %get3A_336 = arith.constant 19 : i32
      %get3A_337 = arith.index_cast %get3A_335 : i32 to index
      %get3A_338 = arith.index_cast %get3A_336 : i32 to index
      %get3A_339 = arith.index_cast %mul3A_334 : i32 to index
      %get3A_340 = tpu.vector_load %arg6[%get3A_337, %get3A_338, %get3A_339] {strides = array<i32>} : memref<2x20x512xi32, #tpu.memory_space<vmem>>, vector<16xi32>,
      %gather3A_341 = tpu.vector_load_idx %arg5[%get3A_340] : memref<100000xf32, #tpu.memory_space<vmem>>[vector<16xi32>], vector<16xf32>,
      %add3A_342 = arith.addf %add3A_332, %gather3A_341 : vector<16xf32>
      %mul3A_343 = arith.constant 16 : i32
      %mul3A_344 = arith.muli %scan3A_145, %mul3A_343 : i32
      %add3A_345 = arith.constant 512 : i32
      %add3A_346 = arith.addi %add3A_345, %mul3A_344 : i32
      %mul3A_347 = arith.constant 5.000000e-02 : f32
      %mul3A_348 = vector.broadcast %mul3A_347 : f32 to vector<16xf32>
      %mul3A_349 = arith.mulf %add3A_342, %mul3A_348 : vector<16xf32>
      %swap3A = arith.index_cast %add3A_346 : i32 to index
      %swap3A_350 = tpu.vector_load %arg7[%swap3A] {strides = array<i32>} : memref<2048xf32, #tpu.memory_space<vmem>>, vector<16xf32>,
      tpu.vector_store %arg7[%swap3A], %mul3A_349 {strides = array<i32>} : memref<2048xf32, #tpu.memory_space<vmem>>, vector<16xf32>,
    }
    %scan3A_91 = arith.constant 32 : i32
    %add3A_92 = arith.constant 1536 : i32
    %add3A_93 = arith.addi %mul3A_0, %add3A_92 : i32
    %dma_start3A_94 = arith.constant 1 : i32
    %dma_start3A_95 = arith.constant 0 : i32
    %dma_start3A_96 = arith.constant 0 : i32
    %dma_start3A_97 = tpu.memref_slice %arg6[%dma_start3A_94, %dma_start3A_95, %dma_start3A_96] : memref<2x20x512xi32, #tpu.memory_space<vmem>> -> memref<1x20x512xi32, #tpu.memory_space<vmem>>
    %dma_start3A_98 = tpu.memref_squeeze %dma_start3A_97 : memref<1x20x512xi32, #tpu.memory_space<vmem>> -> memref<20x512xi32, #tpu.memory_space<vmem>>
    %dma_start3A_99 = arith.constant 0 : i32
    %dma_start3A_100 = tpu.memref_slice %arg2[%dma_start3A_99, %add3A_93] : memref<20x4096xi32, #tpu.memory_space<hbm>> -> memref<20x512xi32, #tpu.memory_space<hbm>>
    %dma_start3A_101 = arith.constant 0 : i32
    %dma_start3A_102 = arith.constant 0 : i32
    %dma_start3A_103 = tpu.memref_slice %arg6[%dma_start3A_94, %dma_start3A_101, %dma_start3A_102] : memref<2x20x512xi32, #tpu.memory_space<vmem>> -> memref<1x20x512xi32, #tpu.memory_space<vmem>>
    %dma_start3A_104 = tpu.memref_squeeze %dma_start3A_103 : memref<1x20x512xi32, #tpu.memory_space<vmem>> -> memref<20x512xi32, #tpu.memory_space<vmem>>
    %dma_start3A_105 = arith.constant 0 : i32
    %dma_start3A_106 = tpu.memref_slice %arg2[%dma_start3A_105, %add3A_93] : memref<20x4096xi32, #tpu.memory_space<hbm>> -> memref<20x512xi32, #tpu.memory_space<hbm>>
    tpu.enqueue_dma source(%dma_start3A_106 : memref<20x512xi32, #tpu.memory_space<hbm>>) target(%dma_start3A_104 : memref<20x512xi32, #tpu.memory_space<vmem>>) target_semaphore(%arg10 : memref<!tpu.dma_semaphore, #tpu.memory_space<semaphore_mem>>)
    %dma_wait3A_107 = arith.constant 0 : i32
    %dma_wait3A_108 = arith.constant 0 : i32
    %dma_wait3A_109 = arith.constant 0 : i32
    %dma_wait3A_110 = tpu.memref_slice %arg6[%dma_wait3A_107, %dma_wait3A_108, %dma_wait3A_109] : memref<2x20x512xi32, #tpu.memory_space<vmem>> -> memref<1x20x512xi32, #tpu.memory_space<vmem>>
    %dma_wait3A_111 = tpu.memref_squeeze %dma_wait3A_110 : memref<1x20x512xi32, #tpu.memory_space<vmem>> -> memref<20x512xi32, #tpu.memory_space<vmem>>
    %dma_wait3A_112 = arith.constant 0 : i32
    %dma_wait3A_113 = tpu.memref_slice %arg2[%dma_wait3A_112, %add3A_59] : memref<20x4096xi32, #tpu.memory_space<hbm>> -> memref<20x512xi32, #tpu.memory_space<hbm>>
    %dma_wait3A_114 = arith.constant 0 : i32
    %dma_wait3A_115 = arith.constant 0 : i32
    %dma_wait3A_116 = tpu.memref_slice %arg6[%dma_wait3A_107, %dma_wait3A_114, %dma_wait3A_115] : memref<2x20x512xi32, #tpu.memory_space<vmem>> -> memref<1x20x512xi32, #tpu.memory_space<vmem>>
    %dma_wait3A_117 = tpu.memref_squeeze %dma_wait3A_116 : memref<1x20x512xi32, #tpu.memory_space<vmem>> -> memref<20x512xi32, #tpu.memory_space<vmem>>
    %dma_wait3A_118 = arith.constant 0 : i32
    %dma_wait3A_119 = tpu.memref_slice %arg2[%dma_wait3A_118, %add3A_59] : memref<20x4096xi32, #tpu.memory_space<hbm>> -> memref<20x512xi32, #tpu.memory_space<hbm>>
    tpu.wait_dma2 semaphore(%arg9 : memref<!tpu.dma_semaphore, #tpu.memory_space<semaphore_mem>>) src(%dma_wait3A_119 : memref<20x512xi32, #tpu.memory_space<hbm>>) dst(%dma_wait3A_117 : memref<20x512xi32, #tpu.memory_space<vmem>>)
    %scan3A_120 = arith.constant 0 : i32
    %scan3A_121 = arith.constant 0 : i32
    %scan3A_122 = arith.constant 32 : i32
    %scan3A_123 = arith.addi %scan3A_121, %scan3A_122 : i32
    %scan3A_124 = arith.constant 1 : i32
    scf.for %scan3A_145 = %scan3A_121 to %scan3A_123 step %scan3A_124  : i32 {
      %mul3A_146 = arith.constant 16 : i32
      %mul3A_147 = arith.muli %scan3A_145, %mul3A_146 : i32
      %get3A = arith.constant 0 : i32
      %get3A_148 = arith.constant 0 : i32
      %get3A_149 = arith.index_cast %get3A : i32 to index
      %get3A_150 = arith.index_cast %get3A_148 : i32 to index
      %get3A_151 = arith.index_cast %mul3A_147 : i32 to index
      %get3A_152 = tpu.vector_load %arg6[%get3A_149, %get3A_150, %get3A_151] {strides = array<i32>} : memref<2x20x512xi32, #tpu.memory_space<vmem>>, vector<16xi32>,
      %gather3A = tpu.vector_load_idx %arg5[%get3A_152] : memref<100000xf32, #tpu.memory_space<vmem>>[vector<16xi32>], vector<16xf32>,
      %mul3A_153 = arith.constant 16 : i32
      %mul3A_154 = arith.muli %scan3A_145, %mul3A_153 : i32
      %get3A_155 = arith.constant 0 : i32
      %get3A_156 = arith.constant 1 : i32
      %get3A_157 = arith.index_cast %get3A_155 : i32 to index
      %get3A_158 = arith.index_cast %get3A_156 : i32 to index
      %get3A_159 = arith.index_cast %mul3A_154 : i32 to index
      %get3A_160 = tpu.vector_load %arg6[%get3A_157, %get3A_158, %get3A_159] {strides = array<i32>} : memref<2x20x512xi32, #tpu.memory_space<vmem>>, vector<16xi32>,
      %gather3A_161 = tpu.vector_load_idx %arg5[%get3A_160] : memref<100000xf32, #tpu.memory_space<vmem>>[vector<16xi32>], vector<16xf32>,
      %add3A_162 = arith.addf %gather3A, %gather3A_161 : vector<16xf32>
      %mul3A_163 = arith.constant 16 : i32
      %mul3A_164 = arith.muli %scan3A_145, %mul3A_163 : i32
      %get3A_165 = arith.constant 0 : i32
      %get3A_166 = arith.constant 2 : i32
      %get3A_167 = arith.index_cast %get3A_165 : i32 to index
      %get3A_168 = arith.index_cast %get3A_166 : i32 to index
      %get3A_169 = arith.index_cast %mul3A_164 : i32 to index
      %get3A_170 = tpu.vector_load %arg6[%get3A_167, %get3A_168, %get3A_169] {strides = array<i32>} : memref<2x20x512xi32, #tpu.memory_space<vmem>>, vector<16xi32>,
      %gather3A_171 = tpu.vector_load_idx %arg5[%get3A_170] : memref<100000xf32, #tpu.memory_space<vmem>>[vector<16xi32>], vector<16xf32>,
      %add3A_172 = arith.addf %add3A_162, %gather3A_171 : vector<16xf32>
      %mul3A_173 = arith.constant 16 : i32
      %mul3A_174 = arith.muli %scan3A_145, %mul3A_173 : i32
      %get3A_175 = arith.constant 0 : i32
      %get3A_176 = arith.constant 3 : i32
      %get3A_177 = arith.index_cast %get3A_175 : i32 to index
      %get3A_178 = arith.index_cast %get3A_176 : i32 to index
      %get3A_179 = arith.index_cast %mul3A_174 : i32 to index
      %get3A_180 = tpu.vector_load %arg6[%get3A_177, %get3A_178, %get3A_179] {strides = array<i32>} : memref<2x20x512xi32, #tpu.memory_space<vmem>>, vector<16xi32>,
      %gather3A_181 = tpu.vector_load_idx %arg5[%get3A_180] : memref<100000xf32, #tpu.memory_space<vmem>>[vector<16xi32>], vector<16xf32>,
      %add3A_182 = arith.addf %add3A_172, %gather3A_181 : vector<16xf32>
      %mul3A_183 = arith.constant 16 : i32
      %mul3A_184 = arith.muli %scan3A_145, %mul3A_183 : i32
      %get3A_185 = arith.constant 0 : i32
      %get3A_186 = arith.constant 4 : i32
      %get3A_187 = arith.index_cast %get3A_185 : i32 to index
      %get3A_188 = arith.index_cast %get3A_186 : i32 to index
      %get3A_189 = arith.index_cast %mul3A_184 : i32 to index
      %get3A_190 = tpu.vector_load %arg6[%get3A_187, %get3A_188, %get3A_189] {strides = array<i32>} : memref<2x20x512xi32, #tpu.memory_space<vmem>>, vector<16xi32>,
      %gather3A_191 = tpu.vector_load_idx %arg5[%get3A_190] : memref<100000xf32, #tpu.memory_space<vmem>>[vector<16xi32>], vector<16xf32>,
      %add3A_192 = arith.addf %add3A_182, %gather3A_191 : vector<16xf32>
      %mul3A_193 = arith.constant 16 : i32
      %mul3A_194 = arith.muli %scan3A_145, %mul3A_193 : i32
      %get3A_195 = arith.constant 0 : i32
      %get3A_196 = arith.constant 5 : i32
      %get3A_197 = arith.index_cast %get3A_195 : i32 to index
      %get3A_198 = arith.index_cast %get3A_196 : i32 to index
      %get3A_199 = arith.index_cast %mul3A_194 : i32 to index
      %get3A_200 = tpu.vector_load %arg6[%get3A_197, %get3A_198, %get3A_199] {strides = array<i32>} : memref<2x20x512xi32, #tpu.memory_space<vmem>>, vector<16xi32>,
      %gather3A_201 = tpu.vector_load_idx %arg5[%get3A_200] : memref<100000xf32, #tpu.memory_space<vmem>>[vector<16xi32>], vector<16xf32>,
      %add3A_202 = arith.addf %add3A_192, %gather3A_201 : vector<16xf32>
      %mul3A_203 = arith.constant 16 : i32
      %mul3A_204 = arith.muli %scan3A_145, %mul3A_203 : i32
      %get3A_205 = arith.constant 0 : i32
      %get3A_206 = arith.constant 6 : i32
      %get3A_207 = arith.index_cast %get3A_205 : i32 to index
      %get3A_208 = arith.index_cast %get3A_206 : i32 to index
      %get3A_209 = arith.index_cast %mul3A_204 : i32 to index
      %get3A_210 = tpu.vector_load %arg6[%get3A_207, %get3A_208, %get3A_209] {strides = array<i32>} : memref<2x20x512xi32, #tpu.memory_space<vmem>>, vector<16xi32>,
      %gather3A_211 = tpu.vector_load_idx %arg5[%get3A_210] : memref<100000xf32, #tpu.memory_space<vmem>>[vector<16xi32>], vector<16xf32>,
      %add3A_212 = arith.addf %add3A_202, %gather3A_211 : vector<16xf32>
      %mul3A_213 = arith.constant 16 : i32
      %mul3A_214 = arith.muli %scan3A_145, %mul3A_213 : i32
      %get3A_215 = arith.constant 0 : i32
      %get3A_216 = arith.constant 7 : i32
      %get3A_217 = arith.index_cast %get3A_215 : i32 to index
      %get3A_218 = arith.index_cast %get3A_216 : i32 to index
      %get3A_219 = arith.index_cast %mul3A_214 : i32 to index
      %get3A_220 = tpu.vector_load %arg6[%get3A_217, %get3A_218, %get3A_219] {strides = array<i32>} : memref<2x20x512xi32, #tpu.memory_space<vmem>>, vector<16xi32>,
      %gather3A_221 = tpu.vector_load_idx %arg5[%get3A_220] : memref<100000xf32, #tpu.memory_space<vmem>>[vector<16xi32>], vector<16xf32>,
      %add3A_222 = arith.addf %add3A_212, %gather3A_221 : vector<16xf32>
      %mul3A_223 = arith.constant 16 : i32
      %mul3A_224 = arith.muli %scan3A_145, %mul3A_223 : i32
      %get3A_225 = arith.constant 0 : i32
      %get3A_226 = arith.constant 8 : i32
      %get3A_227 = arith.index_cast %get3A_225 : i32 to index
      %get3A_228 = arith.index_cast %get3A_226 : i32 to index
      %get3A_229 = arith.index_cast %mul3A_224 : i32 to index
      %get3A_230 = tpu.vector_load %arg6[%get3A_227, %get3A_228, %get3A_229] {strides = array<i32>} : memref<2x20x512xi32, #tpu.memory_space<vmem>>, vector<16xi32>,
      %gather3A_231 = tpu.vector_load_idx %arg5[%get3A_230] : memref<100000xf32, #tpu.memory_space<vmem>>[vector<16xi32>], vector<16xf32>,
      %add3A_232 = arith.addf %add3A_222, %gather3A_231 : vector<16xf32>
      %mul3A_233 = arith.constant 16 : i32
      %mul3A_234 = arith.muli %scan3A_145, %mul3A_233 : i32
      %get3A_235 = arith.constant 0 : i32
      %get3A_236 = arith.constant 9 : i32
      %get3A_237 = arith.index_cast %get3A_235 : i32 to index
      %get3A_238 = arith.index_cast %get3A_236 : i32 to index
      %get3A_239 = arith.index_cast %mul3A_234 : i32 to index
      %get3A_240 = tpu.vector_load %arg6[%get3A_237, %get3A_238, %get3A_239] {strides = array<i32>} : memref<2x20x512xi32, #tpu.memory_space<vmem>>, vector<16xi32>,
      %gather3A_241 = tpu.vector_load_idx %arg5[%get3A_240] : memref<100000xf32, #tpu.memory_space<vmem>>[vector<16xi32>], vector<16xf32>,
      %add3A_242 = arith.addf %add3A_232, %gather3A_241 : vector<16xf32>
      %mul3A_243 = arith.constant 16 : i32
      %mul3A_244 = arith.muli %scan3A_145, %mul3A_243 : i32
      %get3A_245 = arith.constant 0 : i32
      %get3A_246 = arith.constant 10 : i32
      %get3A_247 = arith.index_cast %get3A_245 : i32 to index
      %get3A_248 = arith.index_cast %get3A_246 : i32 to index
      %get3A_249 = arith.index_cast %mul3A_244 : i32 to index
      %get3A_250 = tpu.vector_load %arg6[%get3A_247, %get3A_248, %get3A_249] {strides = array<i32>} : memref<2x20x512xi32, #tpu.memory_space<vmem>>, vector<16xi32>,
      %gather3A_251 = tpu.vector_load_idx %arg5[%get3A_250] : memref<100000xf32, #tpu.memory_space<vmem>>[vector<16xi32>], vector<16xf32>,
      %add3A_252 = arith.addf %add3A_242, %gather3A_251 : vector<16xf32>
      %mul3A_253 = arith.constant 16 : i32
      %mul3A_254 = arith.muli %scan3A_145, %mul3A_253 : i32
      %get3A_255 = arith.constant 0 : i32
      %get3A_256 = arith.constant 11 : i32
      %get3A_257 = arith.index_cast %get3A_255 : i32 to index
      %get3A_258 = arith.index_cast %get3A_256 : i32 to index
      %get3A_259 = arith.index_cast %mul3A_254 : i32 to index
      %get3A_260 = tpu.vector_load %arg6[%get3A_257, %get3A_258, %get3A_259] {strides = array<i32>} : memref<2x20x512xi32, #tpu.memory_space<vmem>>, vector<16xi32>,
      %gather3A_261 = tpu.vector_load_idx %arg5[%get3A_260] : memref<100000xf32, #tpu.memory_space<vmem>>[vector<16xi32>], vector<16xf32>,
      %add3A_262 = arith.addf %add3A_252, %gather3A_261 : vector<16xf32>
      %mul3A_263 = arith.constant 16 : i32
      %mul3A_264 = arith.muli %scan3A_145, %mul3A_263 : i32
      %get3A_265 = arith.constant 0 : i32
      %get3A_266 = arith.constant 12 : i32
      %get3A_267 = arith.index_cast %get3A_265 : i32 to index
      %get3A_268 = arith.index_cast %get3A_266 : i32 to index
      %get3A_269 = arith.index_cast %mul3A_264 : i32 to index
      %get3A_270 = tpu.vector_load %arg6[%get3A_267, %get3A_268, %get3A_269] {strides = array<i32>} : memref<2x20x512xi32, #tpu.memory_space<vmem>>, vector<16xi32>,
      %gather3A_271 = tpu.vector_load_idx %arg5[%get3A_270] : memref<100000xf32, #tpu.memory_space<vmem>>[vector<16xi32>], vector<16xf32>,
      %add3A_272 = arith.addf %add3A_262, %gather3A_271 : vector<16xf32>
      %mul3A_273 = arith.constant 16 : i32
      %mul3A_274 = arith.muli %scan3A_145, %mul3A_273 : i32
      %get3A_275 = arith.constant 0 : i32
      %get3A_276 = arith.constant 13 : i32
      %get3A_277 = arith.index_cast %get3A_275 : i32 to index
      %get3A_278 = arith.index_cast %get3A_276 : i32 to index
      %get3A_279 = arith.index_cast %mul3A_274 : i32 to index
      %get3A_280 = tpu.vector_load %arg6[%get3A_277, %get3A_278, %get3A_279] {strides = array<i32>} : memref<2x20x512xi32, #tpu.memory_space<vmem>>, vector<16xi32>,
      %gather3A_281 = tpu.vector_load_idx %arg5[%get3A_280] : memref<100000xf32, #tpu.memory_space<vmem>>[vector<16xi32>], vector<16xf32>,
      %add3A_282 = arith.addf %add3A_272, %gather3A_281 : vector<16xf32>
      %mul3A_283 = arith.constant 16 : i32
      %mul3A_284 = arith.muli %scan3A_145, %mul3A_283 : i32
      %get3A_285 = arith.constant 0 : i32
      %get3A_286 = arith.constant 14 : i32
      %get3A_287 = arith.index_cast %get3A_285 : i32 to index
      %get3A_288 = arith.index_cast %get3A_286 : i32 to index
      %get3A_289 = arith.index_cast %mul3A_284 : i32 to index
      %get3A_290 = tpu.vector_load %arg6[%get3A_287, %get3A_288, %get3A_289] {strides = array<i32>} : memref<2x20x512xi32, #tpu.memory_space<vmem>>, vector<16xi32>,
      %gather3A_291 = tpu.vector_load_idx %arg5[%get3A_290] : memref<100000xf32, #tpu.memory_space<vmem>>[vector<16xi32>], vector<16xf32>,
      %add3A_292 = arith.addf %add3A_282, %gather3A_291 : vector<16xf32>
      %mul3A_293 = arith.constant 16 : i32
      %mul3A_294 = arith.muli %scan3A_145, %mul3A_293 : i32
      %get3A_295 = arith.constant 0 : i32
      %get3A_296 = arith.constant 15 : i32
      %get3A_297 = arith.index_cast %get3A_295 : i32 to index
      %get3A_298 = arith.index_cast %get3A_296 : i32 to index
      %get3A_299 = arith.index_cast %mul3A_294 : i32 to index
      %get3A_300 = tpu.vector_load %arg6[%get3A_297, %get3A_298, %get3A_299] {strides = array<i32>} : memref<2x20x512xi32, #tpu.memory_space<vmem>>, vector<16xi32>,
      %gather3A_301 = tpu.vector_load_idx %arg5[%get3A_300] : memref<100000xf32, #tpu.memory_space<vmem>>[vector<16xi32>], vector<16xf32>,
      %add3A_302 = arith.addf %add3A_292, %gather3A_301 : vector<16xf32>
      %mul3A_303 = arith.constant 16 : i32
      %mul3A_304 = arith.muli %scan3A_145, %mul3A_303 : i32
      %get3A_305 = arith.constant 0 : i32
      %get3A_306 = arith.constant 16 : i32
      %get3A_307 = arith.index_cast %get3A_305 : i32 to index
      %get3A_308 = arith.index_cast %get3A_306 : i32 to index
      %get3A_309 = arith.index_cast %mul3A_304 : i32 to index
      %get3A_310 = tpu.vector_load %arg6[%get3A_307, %get3A_308, %get3A_309] {strides = array<i32>} : memref<2x20x512xi32, #tpu.memory_space<vmem>>, vector<16xi32>,
      %gather3A_311 = tpu.vector_load_idx %arg5[%get3A_310] : memref<100000xf32, #tpu.memory_space<vmem>>[vector<16xi32>], vector<16xf32>,
      %add3A_312 = arith.addf %add3A_302, %gather3A_311 : vector<16xf32>
      %mul3A_313 = arith.constant 16 : i32
      %mul3A_314 = arith.muli %scan3A_145, %mul3A_313 : i32
      %get3A_315 = arith.constant 0 : i32
      %get3A_316 = arith.constant 17 : i32
      %get3A_317 = arith.index_cast %get3A_315 : i32 to index
      %get3A_318 = arith.index_cast %get3A_316 : i32 to index
      %get3A_319 = arith.index_cast %mul3A_314 : i32 to index
      %get3A_320 = tpu.vector_load %arg6[%get3A_317, %get3A_318, %get3A_319] {strides = array<i32>} : memref<2x20x512xi32, #tpu.memory_space<vmem>>, vector<16xi32>,
      %gather3A_321 = tpu.vector_load_idx %arg5[%get3A_320] : memref<100000xf32, #tpu.memory_space<vmem>>[vector<16xi32>], vector<16xf32>,
      %add3A_322 = arith.addf %add3A_312, %gather3A_321 : vector<16xf32>
      %mul3A_323 = arith.constant 16 : i32
      %mul3A_324 = arith.muli %scan3A_145, %mul3A_323 : i32
      %get3A_325 = arith.constant 0 : i32
      %get3A_326 = arith.constant 18 : i32
      %get3A_327 = arith.index_cast %get3A_325 : i32 to index
      %get3A_328 = arith.index_cast %get3A_326 : i32 to index
      %get3A_329 = arith.index_cast %mul3A_324 : i32 to index
      %get3A_330 = tpu.vector_load %arg6[%get3A_327, %get3A_328, %get3A_329] {strides = array<i32>} : memref<2x20x512xi32, #tpu.memory_space<vmem>>, vector<16xi32>,
      %gather3A_331 = tpu.vector_load_idx %arg5[%get3A_330] : memref<100000xf32, #tpu.memory_space<vmem>>[vector<16xi32>], vector<16xf32>,
      %add3A_332 = arith.addf %add3A_322, %gather3A_331 : vector<16xf32>
      %mul3A_333 = arith.constant 16 : i32
      %mul3A_334 = arith.muli %scan3A_145, %mul3A_333 : i32
      %get3A_335 = arith.constant 0 : i32
      %get3A_336 = arith.constant 19 : i32
      %get3A_337 = arith.index_cast %get3A_335 : i32 to index
      %get3A_338 = arith.index_cast %get3A_336 : i32 to index
      %get3A_339 = arith.index_cast %mul3A_334 : i32 to index
      %get3A_340 = tpu.vector_load %arg6[%get3A_337, %get3A_338, %get3A_339] {strides = array<i32>} : memref<2x20x512xi32, #tpu.memory_space<vmem>>, vector<16xi32>,
      %gather3A_341 = tpu.vector_load_idx %arg5[%get3A_340] : memref<100000xf32, #tpu.memory_space<vmem>>[vector<16xi32>], vector<16xf32>,
      %add3A_342 = arith.addf %add3A_332, %gather3A_341 : vector<16xf32>
      %mul3A_343 = arith.constant 16 : i32
      %mul3A_344 = arith.muli %scan3A_145, %mul3A_343 : i32
      %add3A_345 = arith.constant 1024 : i32
      %add3A_346 = arith.addi %add3A_345, %mul3A_344 : i32
      %mul3A_347 = arith.constant 5.000000e-02 : f32
      %mul3A_348 = vector.broadcast %mul3A_347 : f32 to vector<16xf32>
      %mul3A_349 = arith.mulf %add3A_342, %mul3A_348 : vector<16xf32>
      %swap3A = arith.index_cast %add3A_346 : i32 to index
      %swap3A_350 = tpu.vector_load %arg7[%swap3A] {strides = array<i32>} : memref<2048xf32, #tpu.memory_space<vmem>>, vector<16xf32>,
      tpu.vector_store %arg7[%swap3A], %mul3A_349 {strides = array<i32>} : memref<2048xf32, #tpu.memory_space<vmem>>, vector<16xf32>,
    }
    %scan3A_125 = arith.constant 32 : i32
    %dma_wait3A_126 = arith.constant 1 : i32
    %dma_wait3A_127 = arith.constant 0 : i32
    %dma_wait3A_128 = arith.constant 0 : i32
    %dma_wait3A_129 = tpu.memref_slice %arg6[%dma_wait3A_126, %dma_wait3A_127, %dma_wait3A_128] : memref<2x20x512xi32, #tpu.memory_space<vmem>> -> memref<1x20x512xi32, #tpu.memory_space<vmem>>
    %dma_wait3A_130 = tpu.memref_squeeze %dma_wait3A_129 : memref<1x20x512xi32, #tpu.memory_space<vmem>> -> memref<20x512xi32, #tpu.memory_space<vmem>>
    %dma_wait3A_131 = arith.constant 0 : i32
    %dma_wait3A_132 = tpu.memref_slice %arg2[%dma_wait3A_131, %add3A_93] : memref<20x4096xi32, #tpu.memory_space<hbm>> -> memref<20x512xi32, #tpu.memory_space<hbm>>
    %dma_wait3A_133 = arith.constant 0 : i32
    %dma_wait3A_134 = arith.constant 0 : i32
    %dma_wait3A_135 = tpu.memref_slice %arg6[%dma_wait3A_126, %dma_wait3A_133, %dma_wait3A_134] : memref<2x20x512xi32, #tpu.memory_space<vmem>> -> memref<1x20x512xi32, #tpu.memory_space<vmem>>
    %dma_wait3A_136 = tpu.memref_squeeze %dma_wait3A_135 : memref<1x20x512xi32, #tpu.memory_space<vmem>> -> memref<20x512xi32, #tpu.memory_space<vmem>>
    %dma_wait3A_137 = arith.constant 0 : i32
    %dma_wait3A_138 = tpu.memref_slice %arg2[%dma_wait3A_137, %add3A_93] : memref<20x4096xi32, #tpu.memory_space<hbm>> -> memref<20x512xi32, #tpu.memory_space<hbm>>
    tpu.wait_dma2 semaphore(%arg10 : memref<!tpu.dma_semaphore, #tpu.memory_space<semaphore_mem>>) src(%dma_wait3A_138 : memref<20x512xi32, #tpu.memory_space<hbm>>) dst(%dma_wait3A_136 : memref<20x512xi32, #tpu.memory_space<vmem>>)
    %scan3A_139 = arith.constant 0 : i32
    %scan3A_140 = arith.constant 0 : i32
    %scan3A_141 = arith.constant 32 : i32
    %scan3A_142 = arith.addi %scan3A_140, %scan3A_141 : i32
    %scan3A_143 = arith.constant 1 : i32
    scf.for %scan3A_145 = %scan3A_140 to %scan3A_142 step %scan3A_143  : i32 {
      %mul3A_146 = arith.constant 16 : i32
      %mul3A_147 = arith.muli %scan3A_145, %mul3A_146 : i32
      %get3A = arith.constant 1 : i32
      %get3A_148 = arith.constant 0 : i32
      %get3A_149 = arith.index_cast %get3A : i32 to index
      %get3A_150 = arith.index_cast %get3A_148 : i32 to index
      %get3A_151 = arith.index_cast %mul3A_147 : i32 to index
      %get3A_152 = tpu.vector_load %arg6[%get3A_149, %get3A_150, %get3A_151] {strides = array<i32>} : memref<2x20x512xi32, #tpu.memory_space<vmem>>, vector<16xi32>,
      %gather3A = tpu.vector_load_idx %arg5[%get3A_152] : memref<100000xf32, #tpu.memory_space<vmem>>[vector<16xi32>], vector<16xf32>,
      %mul3A_153 = arith.constant 16 : i32
      %mul3A_154 = arith.muli %scan3A_145, %mul3A_153 : i32
      %get3A_155 = arith.constant 1 : i32
      %get3A_156 = arith.constant 1 : i32
      %get3A_157 = arith.index_cast %get3A_155 : i32 to index
      %get3A_158 = arith.index_cast %get3A_156 : i32 to index
      %get3A_159 = arith.index_cast %mul3A_154 : i32 to index
      %get3A_160 = tpu.vector_load %arg6[%get3A_157, %get3A_158, %get3A_159] {strides = array<i32>} : memref<2x20x512xi32, #tpu.memory_space<vmem>>, vector<16xi32>,
      %gather3A_161 = tpu.vector_load_idx %arg5[%get3A_160] : memref<100000xf32, #tpu.memory_space<vmem>>[vector<16xi32>], vector<16xf32>,
      %add3A_162 = arith.addf %gather3A, %gather3A_161 : vector<16xf32>
      %mul3A_163 = arith.constant 16 : i32
      %mul3A_164 = arith.muli %scan3A_145, %mul3A_163 : i32
      %get3A_165 = arith.constant 1 : i32
      %get3A_166 = arith.constant 2 : i32
      %get3A_167 = arith.index_cast %get3A_165 : i32 to index
      %get3A_168 = arith.index_cast %get3A_166 : i32 to index
      %get3A_169 = arith.index_cast %mul3A_164 : i32 to index
      %get3A_170 = tpu.vector_load %arg6[%get3A_167, %get3A_168, %get3A_169] {strides = array<i32>} : memref<2x20x512xi32, #tpu.memory_space<vmem>>, vector<16xi32>,
      %gather3A_171 = tpu.vector_load_idx %arg5[%get3A_170] : memref<100000xf32, #tpu.memory_space<vmem>>[vector<16xi32>], vector<16xf32>,
      %add3A_172 = arith.addf %add3A_162, %gather3A_171 : vector<16xf32>
      %mul3A_173 = arith.constant 16 : i32
      %mul3A_174 = arith.muli %scan3A_145, %mul3A_173 : i32
      %get3A_175 = arith.constant 1 : i32
      %get3A_176 = arith.constant 3 : i32
      %get3A_177 = arith.index_cast %get3A_175 : i32 to index
      %get3A_178 = arith.index_cast %get3A_176 : i32 to index
      %get3A_179 = arith.index_cast %mul3A_174 : i32 to index
      %get3A_180 = tpu.vector_load %arg6[%get3A_177, %get3A_178, %get3A_179] {strides = array<i32>} : memref<2x20x512xi32, #tpu.memory_space<vmem>>, vector<16xi32>,
      %gather3A_181 = tpu.vector_load_idx %arg5[%get3A_180] : memref<100000xf32, #tpu.memory_space<vmem>>[vector<16xi32>], vector<16xf32>,
      %add3A_182 = arith.addf %add3A_172, %gather3A_181 : vector<16xf32>
      %mul3A_183 = arith.constant 16 : i32
      %mul3A_184 = arith.muli %scan3A_145, %mul3A_183 : i32
      %get3A_185 = arith.constant 1 : i32
      %get3A_186 = arith.constant 4 : i32
      %get3A_187 = arith.index_cast %get3A_185 : i32 to index
      %get3A_188 = arith.index_cast %get3A_186 : i32 to index
      %get3A_189 = arith.index_cast %mul3A_184 : i32 to index
      %get3A_190 = tpu.vector_load %arg6[%get3A_187, %get3A_188, %get3A_189] {strides = array<i32>} : memref<2x20x512xi32, #tpu.memory_space<vmem>>, vector<16xi32>,
      %gather3A_191 = tpu.vector_load_idx %arg5[%get3A_190] : memref<100000xf32, #tpu.memory_space<vmem>>[vector<16xi32>], vector<16xf32>,
      %add3A_192 = arith.addf %add3A_182, %gather3A_191 : vector<16xf32>
      %mul3A_193 = arith.constant 16 : i32
      %mul3A_194 = arith.muli %scan3A_145, %mul3A_193 : i32
      %get3A_195 = arith.constant 1 : i32
      %get3A_196 = arith.constant 5 : i32
      %get3A_197 = arith.index_cast %get3A_195 : i32 to index
      %get3A_198 = arith.index_cast %get3A_196 : i32 to index
      %get3A_199 = arith.index_cast %mul3A_194 : i32 to index
      %get3A_200 = tpu.vector_load %arg6[%get3A_197, %get3A_198, %get3A_199] {strides = array<i32>} : memref<2x20x512xi32, #tpu.memory_space<vmem>>, vector<16xi32>,
      %gather3A_201 = tpu.vector_load_idx %arg5[%get3A_200] : memref<100000xf32, #tpu.memory_space<vmem>>[vector<16xi32>], vector<16xf32>,
      %add3A_202 = arith.addf %add3A_192, %gather3A_201 : vector<16xf32>
      %mul3A_203 = arith.constant 16 : i32
      %mul3A_204 = arith.muli %scan3A_145, %mul3A_203 : i32
      %get3A_205 = arith.constant 1 : i32
      %get3A_206 = arith.constant 6 : i32
      %get3A_207 = arith.index_cast %get3A_205 : i32 to index
      %get3A_208 = arith.index_cast %get3A_206 : i32 to index
      %get3A_209 = arith.index_cast %mul3A_204 : i32 to index
      %get3A_210 = tpu.vector_load %arg6[%get3A_207, %get3A_208, %get3A_209] {strides = array<i32>} : memref<2x20x512xi32, #tpu.memory_space<vmem>>, vector<16xi32>,
      %gather3A_211 = tpu.vector_load_idx %arg5[%get3A_210] : memref<100000xf32, #tpu.memory_space<vmem>>[vector<16xi32>], vector<16xf32>,
      %add3A_212 = arith.addf %add3A_202, %gather3A_211 : vector<16xf32>
      %mul3A_213 = arith.constant 16 : i32
      %mul3A_214 = arith.muli %scan3A_145, %mul3A_213 : i32
      %get3A_215 = arith.constant 1 : i32
      %get3A_216 = arith.constant 7 : i32
      %get3A_217 = arith.index_cast %get3A_215 : i32 to index
      %get3A_218 = arith.index_cast %get3A_216 : i32 to index
      %get3A_219 = arith.index_cast %mul3A_214 : i32 to index
      %get3A_220 = tpu.vector_load %arg6[%get3A_217, %get3A_218, %get3A_219] {strides = array<i32>} : memref<2x20x512xi32, #tpu.memory_space<vmem>>, vector<16xi32>,
      %gather3A_221 = tpu.vector_load_idx %arg5[%get3A_220] : memref<100000xf32, #tpu.memory_space<vmem>>[vector<16xi32>], vector<16xf32>,
      %add3A_222 = arith.addf %add3A_212, %gather3A_221 : vector<16xf32>
      %mul3A_223 = arith.constant 16 : i32
      %mul3A_224 = arith.muli %scan3A_145, %mul3A_223 : i32
      %get3A_225 = arith.constant 1 : i32
      %get3A_226 = arith.constant 8 : i32
      %get3A_227 = arith.index_cast %get3A_225 : i32 to index
      %get3A_228 = arith.index_cast %get3A_226 : i32 to index
      %get3A_229 = arith.index_cast %mul3A_224 : i32 to index
      %get3A_230 = tpu.vector_load %arg6[%get3A_227, %get3A_228, %get3A_229] {strides = array<i32>} : memref<2x20x512xi32, #tpu.memory_space<vmem>>, vector<16xi32>,
      %gather3A_231 = tpu.vector_load_idx %arg5[%get3A_230] : memref<100000xf32, #tpu.memory_space<vmem>>[vector<16xi32>], vector<16xf32>,
      %add3A_232 = arith.addf %add3A_222, %gather3A_231 : vector<16xf32>
      %mul3A_233 = arith.constant 16 : i32
      %mul3A_234 = arith.muli %scan3A_145, %mul3A_233 : i32
      %get3A_235 = arith.constant 1 : i32
      %get3A_236 = arith.constant 9 : i32
      %get3A_237 = arith.index_cast %get3A_235 : i32 to index
      %get3A_238 = arith.index_cast %get3A_236 : i32 to index
      %get3A_239 = arith.index_cast %mul3A_234 : i32 to index
      %get3A_240 = tpu.vector_load %arg6[%get3A_237, %get3A_238, %get3A_239] {strides = array<i32>} : memref<2x20x512xi32, #tpu.memory_space<vmem>>, vector<16xi32>,
      %gather3A_241 = tpu.vector_load_idx %arg5[%get3A_240] : memref<100000xf32, #tpu.memory_space<vmem>>[vector<16xi32>], vector<16xf32>,
      %add3A_242 = arith.addf %add3A_232, %gather3A_241 : vector<16xf32>
      %mul3A_243 = arith.constant 16 : i32
      %mul3A_244 = arith.muli %scan3A_145, %mul3A_243 : i32
      %get3A_245 = arith.constant 1 : i32
      %get3A_246 = arith.constant 10 : i32
      %get3A_247 = arith.index_cast %get3A_245 : i32 to index
      %get3A_248 = arith.index_cast %get3A_246 : i32 to index
      %get3A_249 = arith.index_cast %mul3A_244 : i32 to index
      %get3A_250 = tpu.vector_load %arg6[%get3A_247, %get3A_248, %get3A_249] {strides = array<i32>} : memref<2x20x512xi32, #tpu.memory_space<vmem>>, vector<16xi32>,
      %gather3A_251 = tpu.vector_load_idx %arg5[%get3A_250] : memref<100000xf32, #tpu.memory_space<vmem>>[vector<16xi32>], vector<16xf32>,
      %add3A_252 = arith.addf %add3A_242, %gather3A_251 : vector<16xf32>
      %mul3A_253 = arith.constant 16 : i32
      %mul3A_254 = arith.muli %scan3A_145, %mul3A_253 : i32
      %get3A_255 = arith.constant 1 : i32
      %get3A_256 = arith.constant 11 : i32
      %get3A_257 = arith.index_cast %get3A_255 : i32 to index
      %get3A_258 = arith.index_cast %get3A_256 : i32 to index
      %get3A_259 = arith.index_cast %mul3A_254 : i32 to index
      %get3A_260 = tpu.vector_load %arg6[%get3A_257, %get3A_258, %get3A_259] {strides = array<i32>} : memref<2x20x512xi32, #tpu.memory_space<vmem>>, vector<16xi32>,
      %gather3A_261 = tpu.vector_load_idx %arg5[%get3A_260] : memref<100000xf32, #tpu.memory_space<vmem>>[vector<16xi32>], vector<16xf32>,
      %add3A_262 = arith.addf %add3A_252, %gather3A_261 : vector<16xf32>
      %mul3A_263 = arith.constant 16 : i32
      %mul3A_264 = arith.muli %scan3A_145, %mul3A_263 : i32
      %get3A_265 = arith.constant 1 : i32
      %get3A_266 = arith.constant 12 : i32
      %get3A_267 = arith.index_cast %get3A_265 : i32 to index
      %get3A_268 = arith.index_cast %get3A_266 : i32 to index
      %get3A_269 = arith.index_cast %mul3A_264 : i32 to index
      %get3A_270 = tpu.vector_load %arg6[%get3A_267, %get3A_268, %get3A_269] {strides = array<i32>} : memref<2x20x512xi32, #tpu.memory_space<vmem>>, vector<16xi32>,
      %gather3A_271 = tpu.vector_load_idx %arg5[%get3A_270] : memref<100000xf32, #tpu.memory_space<vmem>>[vector<16xi32>], vector<16xf32>,
      %add3A_272 = arith.addf %add3A_262, %gather3A_271 : vector<16xf32>
      %mul3A_273 = arith.constant 16 : i32
      %mul3A_274 = arith.muli %scan3A_145, %mul3A_273 : i32
      %get3A_275 = arith.constant 1 : i32
      %get3A_276 = arith.constant 13 : i32
      %get3A_277 = arith.index_cast %get3A_275 : i32 to index
      %get3A_278 = arith.index_cast %get3A_276 : i32 to index
      %get3A_279 = arith.index_cast %mul3A_274 : i32 to index
      %get3A_280 = tpu.vector_load %arg6[%get3A_277, %get3A_278, %get3A_279] {strides = array<i32>} : memref<2x20x512xi32, #tpu.memory_space<vmem>>, vector<16xi32>,
      %gather3A_281 = tpu.vector_load_idx %arg5[%get3A_280] : memref<100000xf32, #tpu.memory_space<vmem>>[vector<16xi32>], vector<16xf32>,
      %add3A_282 = arith.addf %add3A_272, %gather3A_281 : vector<16xf32>
      %mul3A_283 = arith.constant 16 : i32
      %mul3A_284 = arith.muli %scan3A_145, %mul3A_283 : i32
      %get3A_285 = arith.constant 1 : i32
      %get3A_286 = arith.constant 14 : i32
      %get3A_287 = arith.index_cast %get3A_285 : i32 to index
      %get3A_288 = arith.index_cast %get3A_286 : i32 to index
      %get3A_289 = arith.index_cast %mul3A_284 : i32 to index
      %get3A_290 = tpu.vector_load %arg6[%get3A_287, %get3A_288, %get3A_289] {strides = array<i32>} : memref<2x20x512xi32, #tpu.memory_space<vmem>>, vector<16xi32>,
      %gather3A_291 = tpu.vector_load_idx %arg5[%get3A_290] : memref<100000xf32, #tpu.memory_space<vmem>>[vector<16xi32>], vector<16xf32>,
      %add3A_292 = arith.addf %add3A_282, %gather3A_291 : vector<16xf32>
      %mul3A_293 = arith.constant 16 : i32
      %mul3A_294 = arith.muli %scan3A_145, %mul3A_293 : i32
      %get3A_295 = arith.constant 1 : i32
      %get3A_296 = arith.constant 15 : i32
      %get3A_297 = arith.index_cast %get3A_295 : i32 to index
      %get3A_298 = arith.index_cast %get3A_296 : i32 to index
      %get3A_299 = arith.index_cast %mul3A_294 : i32 to index
      %get3A_300 = tpu.vector_load %arg6[%get3A_297, %get3A_298, %get3A_299] {strides = array<i32>} : memref<2x20x512xi32, #tpu.memory_space<vmem>>, vector<16xi32>,
      %gather3A_301 = tpu.vector_load_idx %arg5[%get3A_300] : memref<100000xf32, #tpu.memory_space<vmem>>[vector<16xi32>], vector<16xf32>,
      %add3A_302 = arith.addf %add3A_292, %gather3A_301 : vector<16xf32>
      %mul3A_303 = arith.constant 16 : i32
      %mul3A_304 = arith.muli %scan3A_145, %mul3A_303 : i32
      %get3A_305 = arith.constant 1 : i32
      %get3A_306 = arith.constant 16 : i32
      %get3A_307 = arith.index_cast %get3A_305 : i32 to index
      %get3A_308 = arith.index_cast %get3A_306 : i32 to index
      %get3A_309 = arith.index_cast %mul3A_304 : i32 to index
      %get3A_310 = tpu.vector_load %arg6[%get3A_307, %get3A_308, %get3A_309] {strides = array<i32>} : memref<2x20x512xi32, #tpu.memory_space<vmem>>, vector<16xi32>,
      %gather3A_311 = tpu.vector_load_idx %arg5[%get3A_310] : memref<100000xf32, #tpu.memory_space<vmem>>[vector<16xi32>], vector<16xf32>,
      %add3A_312 = arith.addf %add3A_302, %gather3A_311 : vector<16xf32>
      %mul3A_313 = arith.constant 16 : i32
      %mul3A_314 = arith.muli %scan3A_145, %mul3A_313 : i32
      %get3A_315 = arith.constant 1 : i32
      %get3A_316 = arith.constant 17 : i32
      %get3A_317 = arith.index_cast %get3A_315 : i32 to index
      %get3A_318 = arith.index_cast %get3A_316 : i32 to index
      %get3A_319 = arith.index_cast %mul3A_314 : i32 to index
      %get3A_320 = tpu.vector_load %arg6[%get3A_317, %get3A_318, %get3A_319] {strides = array<i32>} : memref<2x20x512xi32, #tpu.memory_space<vmem>>, vector<16xi32>,
      %gather3A_321 = tpu.vector_load_idx %arg5[%get3A_320] : memref<100000xf32, #tpu.memory_space<vmem>>[vector<16xi32>], vector<16xf32>,
      %add3A_322 = arith.addf %add3A_312, %gather3A_321 : vector<16xf32>
      %mul3A_323 = arith.constant 16 : i32
      %mul3A_324 = arith.muli %scan3A_145, %mul3A_323 : i32
      %get3A_325 = arith.constant 1 : i32
      %get3A_326 = arith.constant 18 : i32
      %get3A_327 = arith.index_cast %get3A_325 : i32 to index
      %get3A_328 = arith.index_cast %get3A_326 : i32 to index
      %get3A_329 = arith.index_cast %mul3A_324 : i32 to index
      %get3A_330 = tpu.vector_load %arg6[%get3A_327, %get3A_328, %get3A_329] {strides = array<i32>} : memref<2x20x512xi32, #tpu.memory_space<vmem>>, vector<16xi32>,
      %gather3A_331 = tpu.vector_load_idx %arg5[%get3A_330] : memref<100000xf32, #tpu.memory_space<vmem>>[vector<16xi32>], vector<16xf32>,
      %add3A_332 = arith.addf %add3A_322, %gather3A_331 : vector<16xf32>
      %mul3A_333 = arith.constant 16 : i32
      %mul3A_334 = arith.muli %scan3A_145, %mul3A_333 : i32
      %get3A_335 = arith.constant 1 : i32
      %get3A_336 = arith.constant 19 : i32
      %get3A_337 = arith.index_cast %get3A_335 : i32 to index
      %get3A_338 = arith.index_cast %get3A_336 : i32 to index
      %get3A_339 = arith.index_cast %mul3A_334 : i32 to index
      %get3A_340 = tpu.vector_load %arg6[%get3A_337, %get3A_338, %get3A_339] {strides = array<i32>} : memref<2x20x512xi32, #tpu.memory_space<vmem>>, vector<16xi32>,
      %gather3A_341 = tpu.vector_load_idx %arg5[%get3A_340] : memref<100000xf32, #tpu.memory_space<vmem>>[vector<16xi32>], vector<16xf32>,
      %add3A_342 = arith.addf %add3A_332, %gather3A_341 : vector<16xf32>
      %mul3A_343 = arith.constant 16 : i32
      %mul3A_344 = arith.muli %scan3A_145, %mul3A_343 : i32
      %add3A_345 = arith.constant 1536 : i32
      %add3A_346 = arith.addi %add3A_345, %mul3A_344 : i32
      %mul3A_347 = arith.constant 5.000000e-02 : f32
      %mul3A_348 = vector.broadcast %mul3A_347 : f32 to vector<16xf32>
      %mul3A_349 = arith.mulf %add3A_342, %mul3A_348 : vector<16xf32>
      %swap3A = arith.index_cast %add3A_346 : i32 to index
      %swap3A_350 = tpu.vector_load %arg7[%swap3A] {strides = array<i32>} : memref<2048xf32, #tpu.memory_space<vmem>>, vector<16xf32>,
      tpu.vector_store %arg7[%swap3A], %mul3A_349 {strides = array<i32>} : memref<2048xf32, #tpu.memory_space<vmem>>, vector<16xf32>,
    }
    %scan3A_144 = arith.constant 32 : i32
    "tpu.region"() ({
      %run_scoped3A = tpu.sem_alloc : memref<!tpu.dma_semaphore, #tpu.memory_space<semaphore_mem>>
      %dma_start3A_145 = tpu.memref_slice %arg4[%arg1, %mul3A_0] : memref<16x4096xf32, #tpu.memory_space<hbm>> -> memref<1x2048xf32, #tpu.memory_space<hbm>>
      %dma_start3A_146 = tpu.memref_squeeze %dma_start3A_145 : memref<1x2048xf32, #tpu.memory_space<hbm>> -> memref<2048xf32, #tpu.memory_space<hbm>>
      %dma_start3A_147 = tpu.memref_slice %arg4[%arg1, %mul3A_0] : memref<16x4096xf32, #tpu.memory_space<hbm>> -> memref<1x2048xf32, #tpu.memory_space<hbm>>
      %dma_start3A_148 = tpu.memref_squeeze %dma_start3A_147 : memref<1x2048xf32, #tpu.memory_space<hbm>> -> memref<2048xf32, #tpu.memory_space<hbm>>
      tpu.enqueue_dma source(%arg7 : memref<2048xf32, #tpu.memory_space<vmem>>) target(%dma_start3A_148 : memref<2048xf32, #tpu.memory_space<hbm>>) target_semaphore(%run_scoped3A : memref<!tpu.dma_semaphore, #tpu.memory_space<semaphore_mem>>)
      %dma_wait3A_149 = tpu.memref_slice %arg4[%arg1, %mul3A_0] : memref<16x4096xf32, #tpu.memory_space<hbm>> -> memref<1x2048xf32, #tpu.memory_space<hbm>>
      %dma_wait3A_150 = tpu.memref_squeeze %dma_wait3A_149 : memref<1x2048xf32, #tpu.memory_space<hbm>> -> memref<2048xf32, #tpu.memory_space<hbm>>
      %dma_wait3A_151 = tpu.memref_slice %arg4[%arg1, %mul3A_0] : memref<16x4096xf32, #tpu.memory_space<hbm>> -> memref<1x2048xf32, #tpu.memory_space<hbm>>
      %dma_wait3A_152 = tpu.memref_squeeze %dma_wait3A_151 : memref<1x2048xf32, #tpu.memory_space<hbm>> -> memref<2048xf32, #tpu.memory_space<hbm>>
      tpu.wait_dma2 semaphore(%run_scoped3A : memref<!tpu.dma_semaphore, #tpu.memory_space<semaphore_mem>>) src(%arg7 : memref<2048xf32, #tpu.memory_space<vmem>>) dst(%dma_wait3A_152 : memref<2048xf32, #tpu.memory_space<hbm>>)
      tpu.yield
    }) : () -> ()
    return
  }
}

module attributes {stable_mosaic.version = 14 : i64} {
  func.func @_matmul_body(%arg0: i32, %arg1: memref<17x1024xf32, #tpu.memory_space<vmem>>, %arg2: memref<17x4096xf32, #tpu.memory_space<vmem>>, %arg3: memref<1024x4096xf32, #tpu.memory_space<vmem>>) attributes {dimension_semantics = [#tpu.dimension_semantics<parallel>], iteration_bounds = array<i64: 98>, scalar_prefetch = 0 : i64, scratch_operands = 0 : i64, tpu.core_type = #tpu.core_type<tc>, window_params = [{transform_indices = @transform_0, window_bounds = array<i64: 17, 1024>}, {pipeline_mode = #tpu.pipeline_mode<synchronous>, transform_indices = @transform_1, window_bounds = array<i64: 17, 4096>}, {transform_indices = @transform_2, window_bounds = array<i64: 1024, 4096>}]} {
    %get3A = arith.constant 0 : index
    %get3A_0 = arith.constant 0 : index
    %get3A_1 = vector.load %arg1[%get3A, %get3A_0] : memref<17x1024xf32, #tpu.memory_space<vmem>>, vector<17x1024xf32>
    %get3A_2 = arith.constant 0 : index
    %get3A_3 = arith.constant 0 : index
    %get3A_4 = vector.load %arg2[%get3A_2, %get3A_3] : memref<17x4096xf32, #tpu.memory_space<vmem>>, vector<17x4096xf32>
    %dot_general3A = arith.constant dense<0.000000e+00> : vector<1024x4096xf32>
    %dot_general3A_5 = tpu.matmul %get3A_1, %get3A_4, %dot_general3A {dimension_numbers = #tpu.dot_dimension_numbers<[0], [0], [1], [1], [0, 1, 1, 1], [], []>, transpose_lhs_hint = false} : vector<17x1024xf32>, vector<17x4096xf32>, vector<1024x4096xf32> -> vector<1024x4096xf32>
    %swap3A = arith.constant 0 : index
    %swap3A_6 = arith.constant 0 : index
    %swap3A_7 = vector.load %arg3[%swap3A, %swap3A_6] : memref<1024x4096xf32, #tpu.memory_space<vmem>>, vector<1024x4096xf32>
    tpu.vector_store %arg3[%swap3A, %swap3A_6], %dot_general3A_5 {strides = array<i32>} : memref<1024x4096xf32, #tpu.memory_space<vmem>>, vector<1024x4096xf32>,
    return
  }
  func.func @transform_0(%arg0: i32) -> (i32, i32) {
    %c0_i32 = arith.constant 0 : i32
    %c0_i32_0 = arith.constant 0 : i32
    return %c0_i32, %arg0 : i32, i32
  }
  func.func @transform_1(%arg0: i32) -> (i32, i32) {
    %c0_i32 = arith.constant 0 : i32
    %c0_i32_0 = arith.constant 0 : i32
    %c0_i32_1 = arith.constant 0 : i32
    return %c0_i32, %c0_i32_0 : i32, i32
  }
  func.func @transform_2(%arg0: i32) -> (i32, i32) {
    %c0_i32 = arith.constant 0 : i32
    %c0_i32_0 = arith.constant 0 : i32
    return %arg0, %c0_i32 : i32, i32
  }
}

</mosaic_0001>

<sc_bundles>
// kernel: kernel.4.cloned.1.call-start
scs
__scs_entry_jumppad:
0x0: {  	(pc) =	sbr.rel $0x88, $3  }
0x1: {  	(tag) =	ssettag $0x0;
	lr =	simm.s32 $0x1  }
0x2: {  	[smem:$0x3F9D] =	sst lr;
	_ =	strace $0xD0000000  }
0x3: {  	_ = 	snop  }
0x4: {  	_ = 	snop  }
0x5: {  	_ = 	snop  }
0x6: {  	_ = 	snop  }
0x7: {  	_ = 	snop  }
__scs_overlays_trampoline_lowered:
0x8: {  	[smem:$0x3FAC] =	sst s0  }
0x9: {  	[smem:$0x3FAD] =	sst s1  }
0xa: {  	[smem:$0x3FAE] =	sst s2  }
0xb: {  	[smem:$0x3FAF] =	sst s3  }
0xc: {  	[smem:$0x3FB0] =	sst s4  }
0xd: {  	[smem:$0x3FB1] =	sst s5  }
0xe: {  	[smem:$0x3FB2] =	sst s6  }
0xf: {  	[smem:$0x3FB3] =	sst s7  }
0x10: {  	[smem:$0x3FB4] =	sst s8  }
0x11: {  	[smem:$0x3FB5] =	sst s9;
	s0 =	simm.s32 @!p0 $0x0  }
0x12: {  	s1 =	sld [smem:$0x3F9B];
	s0 =	simm.s32 @p0 $0x1  }
0x13: {  	[smem:$0x3FB6] =	sst s0;
	s0 =	simm.s32 @!p1 $0x0  }
0x14: {  	s2 =	sld [smem:$0x3F9A];
	s0 =	simm.s32 @p1 $0x1  }
0x15: {  	[smem:$0x3FB7] =	sst s0;
	s0 =	simm.s32 @!p2 $0x0  }
0x16: {  	s3 =	sld [smem:$0x3FDB];
	s0 =	simm.s32 @p2 $0x1  }
0x17: {  	s4 =	simm.s32 $0x1BF5;
	[smem:$0x3FB9] =	sst s0  }
0x18: {  	s0 =	sld [smem:$0x3F9C];
	_ =	swait.ge [sflag:s4], $0x0  }
0x19: {  	s7 =	sld [smem:$0x3F9D]  }
0x1a: {  	s8 =	sadd.s32 $0xFFFFE003, lr  }
0x1b: {  	s9 =	sadd.s32 $0xFFFFFEF7, lr;
	s5 =	simm.s32 $0xFFFFFFFF;
	p2 =	slt.u32 s8, $0xFFFFF086  }
0x1c: {  	p1 =	slt.u32 s9, $0xF7A;
	s5 =	simm.s32 @!p2 $0x0  }
0x1d: {  	s5 =	simm.s32 @p1 $0x1;
	p0 =	seq.s32 s7, s2  }
0x1e: {  	s7 =	smul.u32 @!p0 $0xF7A, s2;
	p2 =	seq.s32 @!p0 s5, $0x0  }
0x1f: {  	s9 =	smul.u32 $0xF7A, s1;
	s8 =	simm.s32 @!p0 $0x1BF5;
	p2 =	por !p2, p0  }
0x20: {  	[sflag:s8] =	ssyncset.s32 @!p0 $0xFFFFF086;
	s6 =	sadd.s32 @!p0 s3, s7;
	s7 =	simm.s32 @!p0 $0x108  }
0x21: {  	s3 =	sadd.s32 s3, s9;
	s6 =	sadd.s32 @!p0 $0x88, s6;
	s7 =	simm.s32 @p2 $0x1082  }
0x22: {  	[simem:s7], [sflag:s8] =	dma.local @!p0 [hbm:s6], $0xF7A  }
0x23: {  	s9 =	sor.u32 $0xD0000000, s2;
	s6 =	simm.s32 $0x108;
	_ =	swait.ge @!p0 [sflag:s8], $0x0  }
0x24: {  	s3 =	sadd.s32 $0x88, s3;
	s6 =	simm.s32 @!p1 $0x1082;
	[sflag:s4] =	ssyncset.s32 $0xFFFFF086  }
0x25: {  	[simem:s6], [sflag:s4] =	dma.local [hbm:s3], $0xF7A  }
0x26: {  	[smem:$0x3F9D] =	sst s1;
	(tag) =	ssettag s2;
	_ =	strace s9  }
0x27: {  	s1 =	sld [smem:$0x3FAD]  }
0x28: {  	s2 =	sld [smem:$0x3FAE]  }
0x29: {  	s4 =	sld [smem:$0x3FB0]  }
0x2a: {  	p0 =	seq.s32 s5, $0x0;
	s5 =	sld [smem:$0x3FB1]  }
0x2b: {  	s6 =	sld [smem:$0x3FB2]  }
0x2c: {  	s7 =	sld [smem:$0x3FB3]  }
0x2d: {  	s3 =	simm.s32 $0x108;
	s8 =	sld [smem:$0x3FB4]  }
0x2e: {  	s3 =	simm.s32 @!p0 $0x1082;
	s9 =	sld [smem:$0x3FB5]  }
0x2f: {  	lr =	sadd.s32 s0, s3;
	s0 =	sld [smem:$0x3FAC]  }
0x30: {  	s3 =	sld [smem:$0x3FAF]  }
0x31: {  	[smem:$0x3FB8] =	sst s10  }
0x32: {  	s10 =	sld [smem:$0x3FB6];
	_ =	sdelay $0x3  }
0x33: {  	p0 =	seq.s32 s10, $0x1;
	s10 =	sld [smem:$0x3FB8];
	_ =	sdelay $0x3  }
0x34: {  	[smem:$0x3FB8] =	sst s10  }
0x35: {  	s10 =	sld [smem:$0x3FB7];
	_ =	sdelay $0x3  }
0x36: {  	p1 =	seq.s32 s10, $0x1;
	s10 =	sld [smem:$0x3FB8];
	_ =	sdelay $0x3  }
0x37: {  	[smem:$0x3FB8] =	sst s10  }
0x38: {  	s10 =	sld [smem:$0x3FB9]  }
0x39: {  	_ = 	snop;
	(pc) =	sbr.ind lr, $3  }
0x3a: {  	_ = 	snop  }
0x3b: {  	_ = 	snop  }
0x3c: {  	p2 =	seq.s32 s10, $0x1;
	s10 =	sld [smem:$0x3FB8]  }
0x3d: {  	_ =	shalt  }
0x3e: {  	_ =	shalt  }
0x3f: {  	_ =	shalt  }
0x40: {  	_ =	shalt  }
0x41: {  	_ =	shalt  }
0x42: {  	_ =	shalt  }
0x43: {  	_ =	shalt  }
0x44: {  	_ =	shalt  }
0x45: {  	_ =	shalt  }
0x46: {  	_ =	shalt  }
0x47: {  	_ =	shalt  }
0x48: {  	_ =	shalt  }
0x49: {  	_ =	shalt  }
0x4a: {  	_ =	shalt  }
0x4b: {  	_ =	shalt  }
0x4c: {  	_ =	shalt  }
0x4d: {  	_ =	shalt  }
0x4e: {  	_ =	shalt  }
0x4f: {  	_ =	shalt  }
0x50: {  	_ =	shalt  }
0x51: {  	_ =	shalt  }
0x52: {  	_ =	shalt  }
0x53: {  	_ =	shalt  }
0x54: {  	_ =	shalt  }
0x55: {  	_ =	shalt  }
0x56: {  	_ =	shalt  }
0x57: {  	_ =	shalt  }
0x58: {  	_ =	shalt  }
0x59: {  	_ =	shalt  }
0x5a: {  	_ =	shalt  }
0x5b: {  	_ =	shalt  }
0x5c: {  	_ =	shalt  }
0x5d: {  	_ =	shalt  }
0x5e: {  	_ =	shalt  }
0x5f: {  	_ =	shalt  }
0x60: {  	_ =	shalt  }
0x61: {  	_ =	shalt  }
0x62: {  	_ =	shalt  }
0x63: {  	_ =	shalt  }
0x64: {  	_ =	shalt  }
0x65: {  	_ =	shalt  }
0x66: {  	_ =	shalt  }
0x67: {  	_ =	shalt  }
0x68: {  	_ =	shalt  }
0x69: {  	_ =	shalt  }
0x6a: {  	_ =	shalt  }
0x6b: {  	_ =	shalt  }
0x6c: {  	_ =	shalt  }
0x6d: {  	_ =	shalt  }
0x6e: {  	_ =	shalt  }
0x6f: {  	_ =	shalt  }
0x70: {  	_ =	shalt  }
0x71: {  	_ =	shalt  }
0x72: {  	_ =	shalt  }
0x73: {  	_ =	shalt  }
0x74: {  	_ =	shalt  }
0x75: {  	_ =	shalt  }
0x76: {  	_ =	shalt  }
0x77: {  	_ =	shalt  }
0x78: {  	_ =	shalt  }
0x79: {  	_ =	shalt  }
0x7a: {  	_ =	shalt  }
0x7b: {  	_ =	shalt  }
0x7c: {  	_ =	shalt  }
0x7d: {  	_ =	shalt  }
0x7e: {  	_ =	shalt  }
0x7f: {  	_ =	shalt  }
0x80: {  	_ =	shalt  }
0x81: {  	_ =	shalt  }
0x82: {  	_ =	shalt  }
0x83: {  	_ =	shalt  }
0x84: {  	_ =	shalt  }
0x85: {  	_ =	shalt  }
0x86: {  	_ =	shalt  }
0x87: {  	_ =	shalt  }
.Lfunc_end0:
.L_simem_size_0:
called_computation_lowered:
.L_overlay_start_0:
0x88: {  	s2 =	sld [smem:$0x3FD9]  }
0x89: {  	s3 =	sld [smem:$0x3FFE];
	_ =	sdelay $0x1  }
0x8a: {  	s1 =	srdreg.scid  }
0x8b: {  	s0 =	sand.u32 $0x1, s1  }
0x8c: {  	s18 =	sshll.u32 s0, $0xA;
	s2 =	sadd.s32 s3, s2  }
0x8d: {  	s2 =	sadd.s32 s2, s18  }
0x8e: {  	[smem:$0x3FC4] =	sst s2  }
0x8f: {  	_ = 	snop  }
0x90: {  	s2 =	sld [smem:$0x3FC9]  }
0x91: {  	s19 =	sld [smem:$0x3FC8]  }
0x92: {  	s4 =	sld [smem:$0x3FD0];
	(tm) =	ssettm $0x1  }
0x93: {  	s5 =	sld [smem:$0x3FFB];
	_ =	sdelay $0x3  }
0x94: {  	_ =	strace s5  }
0x95: {  	s5 =	sld [smem:$0x3FFC];
	_ =	sdelay $0x3  }
0x96: {  	_ =	strace s5  }
0x97: {  	s5 =	sld [smem:$0x3FFD];
	_ =	sdelay $0x3  }
0x98: {  	_ =	strace s5  }
0x99: {  	_ =	strace $0x8FFFFFFF  }
0x9a: {  	s20 =	sld [smem:$0x3FDB];
	_ =	sdelay $0x1  }
0x9b: {  	s6 =	simm.s32 $_scs_section_size  }
0x9c: {  	s7 =	simm.s32 $_size__tile_overlayer_lowered;
	s8 =	simm.s32 $_tile_overlayer_lowered  }
0x9d: {  	s23 =	simm.s32 $0x1BFF;
	s22 =	sshll.u32 s8, $0x1;
	s5 =	sadd.s32 s6, s20  }
0x9e: {  	s9 =	simm.s32 $0x0;
	s21 =	sshll.u32 s7, $0x1;
	s7 =	sadd.s32 s22, s5  }
0x9f: {  	[timem:s9], [sflag:s23] =	dma.local [hbm:s7], s21  }
0xa0: {  	_ =	swait.ge [sflag:s23], s21  }
0xa1: {  	s6 =	ssub.s32 $0x0, s21;
	[sflag:s23] =	ssyncset.done $0x0  }
0xa2: {  	[sflag:s23] =	ssyncadd.s32 s6;
	_ =	sdelay $0x1  }
0xa3: {  	s24 =	simm.s32 $0x1B8B  }
0xa4: {  	_ =	swait.ge [sflag:s24], $0x1  }
0xa5: {  	[sflag:s24] =	ssyncset.done $0x0  }
0xa6: {  	s25 =	simm.s32 $0x1B8E;
	[sflag:s24] =	ssyncadd.s32 $0xFFFFFFFF  }
0xa7: {  	s26 =	simm.s32 $execute0_lowered;
	[smem:$0x3FD2] =	sst s25  }
0xa8: {  	s6 =	sshll.u32 s26, $0x1;
	_ =	strace $0x80000046;
	[dreg:$0x1] =	wrdreg $0xFFFFFFFF  }
0xa9: {  	s28 =	simm.s32 $_size_execute0_lowered;
	s5 =	sadd.s32 s5, s6;
	[dreg:$0x0] =	wrdreg $0x0  }
0xaa: {  	s6 =	sshll.u32 s28, $0x1;
	[dreg:$0x2] =	wrdreg s5  }
0xab: {  	[dreg:$0x3] =	wrdreg s6  }
0xac: {  	[dreg:$0x4] =	wrdreg $0xC0  }
0xad: {  	_ =	task [dreg:s9], $0x5FFFF  }
0xae: {  	[dreg:$0x1] =	wrdreg $0xFFFFFFFF  }
0xaf: {  	[dreg:$0x0] =	wrdreg $0x60  }
0xb0: {  	[dreg:$0x2] =	wrdreg s2  }
0xb1: {  	[dreg:$0x3] =	wrdreg s19  }
0xb2: {  	[dreg:$0x4] =	wrdreg s4  }
0xb3: {  	[dreg:$0x5] =	wrdreg $0x9  }
0xb4: {  	_ =	task.clear_ibuf [dreg:s9], $0x6FFFF;
	_ =	strace $0x90000046  }
0xb5: {  	s29 =	simm.s32 $0x9;
	_ =	strace $0x80000048  }
0xb6: {  	_ =	swait.ge [sflag:s29], $0x1  }
0xb7: {  	[sflag:s29] =	ssyncadd.s32 $0xFFFFFFFF  }
0xb8: {  	_ =	strace $0x90000048  }
0xb9: {  	_ =	sfence  }
0xba: {  	s30 =	sld [smem:$0x0];
	_ =	sdelay $0x2  }
0xbb: {  	s31 =	sshll.u32 s1, $0xD;
	s1 =	sshrl.u32 s1, $0x2  }
0xbc: {  	s3 =	sand.u32 $0x4000, s31;
	s1 =	sadd.s32 s1, s30  }
0xbd: {  	s0 =	sor.u32 s3, s0;
	s1 =	sshll.u32 s1, $0x11  }
0xbe: {  	s0 =	sor.u32 s1, s0  }
0xbf: {  	s0 =	sadd.s32 $0x8F2B, s0  }
0xc0: {  	[sflag:s0] =	ssyncadd.remote.s32 $0x1  }
0xc1: {  	_ =	sfence.sel $0xFFFF  }
0xc2: {  	[dreg:$0x0] =	wrdreg $0xFFFFFFFF;
	(pc) =	sbr.abs _section_cstart, $3  }
0xc3: {  	[dreg:$0x1] =	wrdreg $0xFFFFFFFF  }
0xc4: {  	_ =	task.clear_ibuf [dreg:s9], $0x2FFFF;
	_ =	strace $0x9FFFFFFF  }
0xc5: {  	(tm) =	ssettm $0x7FFFFFFF  }
tec
execute0_lowered:
.L_overlay_start_1:
0x0: {  	(tag) =	ssettag $0x1  }
0x1: {  	s4 =	rddreg [dreg:$0x0]  }
0x2: {  	s3 =	rddreg [dreg:$0x1]  }
0x3: {  	s8 =	rddreg [dreg:$0x2]  }
0x4: {  	s0 =	rddreg [dreg:$0x3];
	s5 =	srdreg.scid  }
0x5: {  	s2 =	simm.s32 $0x0;
	s1 =	stileid.u32;
	s12 =	simm.s32 $0x1000  }
0x6: {  	s13 =	simm.s32 $0x8000;
	s14 =	simm.s32 $0x18700;
	s15 =	simm.s32 $0x1  }
0x7: {  	s16 =	simm.s32 $0x1B700;
	s17 =	simm.s32 $0x2;
	s18 =	simm.s32 $0x3  }
0x8: {  	s19 =	simm.s32 $0x1E700;
	s20 =	simm.s32 $0x4;
	s21 =	simm.s32 $0x0  }
0x9: {  	s5 =	sand.u32 $0x1, s5;
	[smem:$0x7FF] =	sst s2;
	s7 =	sshrl.u32 s1, $0x3  }
0xa: {  	s10 =	sshll.u32 s1, $0x7;
	s6 =	ssub.s32 $0x2, s5;
	s11 =	smul.u32 $0xC3800, s7  }
0xb: {  	_ =	strace $0x80000047;
	s29 =	sand.u32 $0x380, s10;
	s30 =	sshll.u32 s5, $0xE  }
0xc: {  	s7 =	sshll.u32 s7, $0xF;
	s5 =	sshll.u32 s5, $0xB;
	s9 =	sshrl.u32 s6, $0x1  }
0xd: {  	s7 =	sor.u32 s30, s7;
	s4 =	sadd.s32 s4, s5;
	s9 =	ssub.s32 s6, s9  }
0xe: {  	s10 =	sor.u32 s29, s11;
	s7 =	sor.u32 s29, s7;
	s5 =	sadd.s32 $0x200, s4  }
0xf: {  	s6 =	sadd.s32 $0x400, s4;
	s11 =	simm.s32 $0x400;
	s10 =	sshrl.u32 s10, $0x3  }
0x10: {  	s31 =	sshrl.u32 s7, $0x3;
	s7 =	sadd.s32 $0x600, s4;
	s9 =	smax.u32 s9, $0x1  }
0x11: {  	s3 =	sadd.s32 s3, s10;
	s8 =	sadd.s32 s8, s31;
	s10 =	simm.s32 $0x80  }
.LBB2_1:
0x12: {  	[tilespmem:s2], [sflag:$0x1] =	stream.strided.gather [hbm4b:s3+s10], $0x18700, s11, s10, $0x38;
	[tilespmem:$0x1EF00] =	vst v63  }
0x13: {  	_ = 	snop  }
0x14: {  	[tilespmem:s14], [sflag:$0x2] =	stream.strided.gather [hbm4b:s4+s12], $0x3000, s13, s12, $0x38;
	[tilespmem:$0x1EF00] =	vst v63  }
0x15: {  	_ =	swait.ge [sflag:s15], $0x18700  }
0x16: {  	[sflag:s15] =	ssyncset.done $0x0  }
0x17: {  	[sflag:s15] =	ssyncadd.s32 $0xFFFE7900  }
0x18: {  	[tilespmem:s16], [sflag:$0x3] =	stream.strided.gather [hbm4b:s5+s12], $0x3000, s13, s12, $0x38;
	[tilespmem:$0x1EF00] =	vst v63  }
0x19: {  	_ =	swait.ge [sflag:s17], $0x3000  }
0x1a: {  	s22 =	sand.u32 $0x70, s2;
	s23 =	sand.u32 $0xC00, s2;
	[sflag:s17] =	ssyncset.done $0x0  }
0x1b: {  	s22 =	sor.u32 s22, s23;
	[sflag:s17] =	ssyncadd.s32 $0xFFFFD000  }
0x1c: {  	s23 =	sadd.s32 $0x18700, s22;
	v0 =	vld [tilespmem:s22+$0x18700]  }
0x1d: {  	v1 =	vld [tilespmem:s23+$0x80];
	_ =	sdelay $0x1  }
0x1e: {  	v2 =	vld [tilespmem:s23+$0x100];
	_ =	sdelay $0x1  }
0x1f: {  	v3 =	vld [tilespmem:s23+$0x180]  }
0x20: {  	v4 =	vld [tilespmem:s23+$0x280]  }
0x21: {  	v5 =	vld [tilespmem:s23+$0x200]  }
0x22: {  	v0 =	vld.idx.msk [tilespmem:v0+s2+$0x0], $0xffff  }
0x23: {  	v1 =	vld.idx.msk [tilespmem:v1+s2+$0x0], $0xffff  }
0x24: {  	v6 =	vld [tilespmem:s23+$0x300]  }
0x25: {  	v2 =	vld.idx.msk [tilespmem:v2+s2+$0x0], $0xffff  }
0x26: {  	v7 =	vld [tilespmem:s23+$0x380]  }
0x27: {  	v3 =	vld.idx.msk [tilespmem:v3+s2+$0x0], $0xffff  }
0x28: {  	v8 =	vld [tilespmem:s22+$0x19700];
	v0 =	vadd.f32 v1, v0  }
0x29: {  	v1 =	vld.idx.msk [tilespmem:v5+s2+$0x0], $0xffff  }
0x2a: {  	v53 =	vld [tilespmem:s22+$0x19780];
	v0 =	vadd.f32 v2, v0  }
0x2b: {  	v2 =	vld.idx.msk [tilespmem:v4+s2+$0x0], $0xffff  }
0x2c: {  	v54 =	vld [tilespmem:s22+$0x19800];
	v0 =	vadd.f32 v3, v0  }
0x2d: {  	v3 =	vld.idx.msk [tilespmem:v6+s2+$0x0], $0xffff  }
0x2e: {  	v55 =	vld [tilespmem:s22+$0x19880];
	v0 =	vadd.f32 v1, v0  }
0x2f: {  	v1 =	vld.idx.msk [tilespmem:v7+s2+$0x0], $0xffff  }
0x30: {  	v56 =	vld [tilespmem:s22+$0x19900];
	v0 =	vadd.f32 v2, v0  }
0x31: {  	v2 =	vld.idx.msk [tilespmem:v8+s2+$0x0], $0xffff  }
0x32: {  	v57 =	vld [tilespmem:s22+$0x19980];
	v0 =	vadd.f32 v3, v0  }
0x33: {  	v3 =	vld.idx.msk [tilespmem:v53+s2+$0x0], $0xffff  }
0x34: {  	v58 =	vld [tilespmem:s22+$0x19A00];
	v0 =	vadd.f32 v1, v0  }
0x35: {  	v1 =	vld.idx.msk [tilespmem:v54+s2+$0x0], $0xffff  }
0x36: {  	v59 =	vld [tilespmem:s22+$0x19A80];
	v0 =	vadd.f32 v2, v0  }
0x37: {  	v2 =	vld.idx.msk [tilespmem:v55+s2+$0x0], $0xffff  }
0x38: {  	v60 =	vld [tilespmem:s22+$0x1A700];
	v0 =	vadd.f32 v3, v0  }
0x39: {  	v3 =	vld.idx.msk [tilespmem:v56+s2+$0x0], $0xffff  }
0x3a: {  	v61 =	vld [tilespmem:s22+$0x1A780];
	v0 =	vadd.f32 v1, v0  }
0x3b: {  	v1 =	vld.idx.msk [tilespmem:v57+s2+$0x0], $0xffff  }
0x3c: {  	v62 =	vld [tilespmem:s22+$0x1A800];
	v0 =	vadd.f32 v2, v0  }
0x3d: {  	v2 =	vld.idx.msk [tilespmem:v58+s2+$0x0], $0xffff  }
0x3e: {  	v63 =	vld [tilespmem:s22+$0x1A880];
	v0 =	vadd.f32 v3, v0  }
0x3f: {  	v3 =	vld.idx.msk [tilespmem:v59+s2+$0x0], $0xffff  }
0x40: {  	v0 =	vadd.f32 v1, v0  }
0x41: {  	v1 =	vld.idx.msk [tilespmem:v60+s2+$0x0], $0xffff  }
0x42: {  	v0 =	vadd.f32 v2, v0  }
0x43: {  	v2 =	vld.idx.msk [tilespmem:v61+s2+$0x0], $0xffff  }
0x44: {  	v0 =	vadd.f32 v3, v0  }
0x45: {  	v3 =	vld.idx.msk [tilespmem:v62+s2+$0x0], $0xffff  }
0x46: {  	v0 =	vadd.f32 v1, v0  }
0x47: {  	v1 =	vld.idx.msk [tilespmem:v63+s2+$0x0], $0xffff  }
0x48: {  	v0 =	vadd.f32 v2, v0;
	_ =	sdelay $0x1  }
0x49: {  	v0 =	vadd.f32 v3, v0;
	_ =	sdelay $0x1  }
0x4a: {  	v0 =	vadd.f32 v1, v0;
	_ =	sdelay $0x1  }
0x4b: {  	s31 =	simm.s32 $0x10;
	s24 =	simm.s32 $0x20;
	s23 =	simm.s32 $0x80;
	v0 =	vmul.f32 $5.000000070e-02, v0  }
0x4c: {  	s25 =	sand.u32 $0x70, s31;
	s22 =	simm.s32 $0x1E700;
	s26 =	sand.u32 $0xC00, s23  }
.LBB2_2:
0x4d: {  	p0 =	sne.s32 s24, $0x1F0;
	s25 =	sor.u32 s25, s26;
	[tilespmem:s22+$0x0] =	vst v0  }
0x4e: {  	s26 =	sadd.s32 $0x18700, s25;
	v0 =	vld [tilespmem:s25+$0x18700]  }
0x4f: {  	v1 =	vld [tilespmem:s26+$0x80];
	_ =	sdelay $0x1  }
0x50: {  	v2 =	vld [tilespmem:s26+$0x100];
	_ =	sdelay $0x1  }
0x51: {  	v3 =	vld [tilespmem:s26+$0x180]  }
0x52: {  	v4 =	vld [tilespmem:s26+$0x280]  }
0x53: {  	v5 =	vld [tilespmem:s26+$0x200]  }
0x54: {  	v0 =	vld.idx.msk [tilespmem:v0+s2+$0x0], $0xffff  }
0x55: {  	v1 =	vld.idx.msk [tilespmem:v1+s2+$0x0], $0xffff  }
0x56: {  	v6 =	vld [tilespmem:s26+$0x300]  }
0x57: {  	v2 =	vld.idx.msk [tilespmem:v2+s2+$0x0], $0xffff  }
0x58: {  	v7 =	vld [tilespmem:s26+$0x380]  }
0x59: {  	v3 =	vld.idx.msk [tilespmem:v3+s2+$0x0], $0xffff  }
0x5a: {  	v8 =	vld [tilespmem:s25+$0x19700]  }
0x5b: {  	v0 =	vadd.f32 v1, v0;
	v1 =	vld.idx.msk [tilespmem:v5+s2+$0x0], $0xffff  }
0x5c: {  	v5 =	vld [tilespmem:s25+$0x19780]  }
0x5d: {  	v0 =	vadd.f32 v2, v0;
	v2 =	vld.idx.msk [tilespmem:v4+s2+$0x0], $0xffff  }
0x5e: {  	v4 =	vld [tilespmem:s25+$0x19800]  }
0x5f: {  	v0 =	vadd.f32 v3, v0;
	v3 =	vld.idx.msk [tilespmem:v6+s2+$0x0], $0xffff  }
0x60: {  	v6 =	vld [tilespmem:s25+$0x19880]  }
0x61: {  	v0 =	vadd.f32 v1, v0;
	v1 =	vld.idx.msk [tilespmem:v7+s2+$0x0], $0xffff  }
0x62: {  	v7 =	vld [tilespmem:s25+$0x19900]  }
0x63: {  	v0 =	vadd.f32 v2, v0;
	v2 =	vld.idx.msk [tilespmem:v8+s2+$0x0], $0xffff  }
0x64: {  	v8 =	vld [tilespmem:s25+$0x19980]  }
0x65: {  	v0 =	vadd.f32 v3, v0;
	v3 =	vld.idx.msk [tilespmem:v5+s2+$0x0], $0xffff  }
0x66: {  	v5 =	vld [tilespmem:s25+$0x19A00]  }
0x67: {  	v0 =	vadd.f32 v1, v0;
	v1 =	vld.idx.msk [tilespmem:v4+s2+$0x0], $0xffff  }
0x68: {  	v4 =	vld [tilespmem:s25+$0x19A80]  }
0x69: {  	v0 =	vadd.f32 v2, v0;
	v2 =	vld.idx.msk [tilespmem:v6+s2+$0x0], $0xffff  }
0x6a: {  	v6 =	vld [tilespmem:s25+$0x1A700]  }
0x6b: {  	v0 =	vadd.f32 v3, v0;
	v3 =	vld.idx.msk [tilespmem:v7+s2+$0x0], $0xffff  }
0x6c: {  	v7 =	vld [tilespmem:s25+$0x1A780]  }
0x6d: {  	v0 =	vadd.f32 v1, v0;
	v1 =	vld.idx.msk [tilespmem:v8+s2+$0x0], $0xffff  }
0x6e: {  	v8 =	vld [tilespmem:s25+$0x1A800]  }
0x6f: {  	v0 =	vadd.f32 v2, v0;
	v2 =	vld.idx.msk [tilespmem:v5+s2+$0x0], $0xffff  }
0x70: {  	v5 =	vld [tilespmem:s25+$0x1A880]  }
0x71: {  	v0 =	vadd.f32 v3, v0;
	v3 =	vld.idx.msk [tilespmem:v4+s2+$0x0], $0xffff;
	_ =	sdelay $0x1  }
0x72: {  	v0 =	vadd.f32 v1, v0;
	v1 =	vld.idx.msk [tilespmem:v6+s2+$0x0], $0xffff;
	_ =	sdelay $0x1  }
0x73: {  	v0 =	vadd.f32 v2, v0;
	v2 =	vld.idx.msk [tilespmem:v7+s2+$0x0], $0xffff;
	_ =	sdelay $0x1  }
0x74: {  	v0 =	vadd.f32 v3, v0;
	v3 =	vld.idx.msk [tilespmem:v8+s2+$0x0], $0xffff;
	_ =	sdelay $0x1  }
0x75: {  	v0 =	vadd.f32 v1, v0;
	v1 =	vld.idx.msk [tilespmem:v5+s2+$0x0], $0xffff;
	_ =	sdelay $0x1  }
0x76: {  	v0 =	vadd.f32 v2, v0;
	_ =	sdelay $0x1  }
0x77: {  	v0 =	vadd.f32 v3, v0  }
.Ltmp0:
0x78: {  	(pc) =	sbr.rel @p0 .LBB2_2-.Ltmp0, $3  }
0x79: {  	v0 =	vadd.f32 v1, v0;
	_ =	sdelay $0x1  }
0x7a: {  	s23 =	sadd.s32 $0x80, s23;
	s22 =	sadd.s32 $0x10, s22;
	v0 =	vmul.f32 $5.000000070e-02, v0  }
0x7b: {  	s26 =	sand.u32 $0xC00, s23;
	s25 =	sand.u32 $0x70, s24;
	s24 =	sadd.s32 $0x10, s24  }
0x7c: {  	s23 =	sor.u32 s25, s26;
	[tilespmem:s22+$0x0] =	vst v0  }
0x7d: {  	s24 =	sadd.s32 $0x18700, s23;
	v0 =	vld [tilespmem:s23+$0x18700]  }
0x7e: {  	v1 =	vld [tilespmem:s24+$0x80];
	_ =	sdelay $0x1  }
0x7f: {  	v2 =	vld [tilespmem:s24+$0x100];
	_ =	sdelay $0x1  }
0x80: {  	v3 =	vld [tilespmem:s24+$0x180]  }
0x81: {  	v4 =	vld [tilespmem:s24+$0x280]  }
0x82: {  	v5 =	vld [tilespmem:s24+$0x200]  }
0x83: {  	v0 =	vld.idx.msk [tilespmem:v0+s2+$0x0], $0xffff  }
0x84: {  	v1 =	vld.idx.msk [tilespmem:v1+s2+$0x0], $0xffff  }
0x85: {  	v6 =	vld [tilespmem:s24+$0x300]  }
0x86: {  	v2 =	vld.idx.msk [tilespmem:v2+s2+$0x0], $0xffff  }
0x87: {  	v7 =	vld [tilespmem:s24+$0x380]  }
0x88: {  	v3 =	vld.idx.msk [tilespmem:v3+s2+$0x0], $0xffff  }
0x89: {  	v8 =	vld [tilespmem:s23+$0x19700];
	v0 =	vadd.f32 v1, v0  }
0x8a: {  	v37 =	vld.idx.msk [tilespmem:v5+s2+$0x0], $0xffff  }
0x8b: {  	v38 =	vld [tilespmem:s23+$0x19780];
	v0 =	vadd.f32 v2, v0  }
0x8c: {  	v39 =	vld.idx.msk [tilespmem:v4+s2+$0x0], $0xffff  }
0x8d: {  	v40 =	vld [tilespmem:s23+$0x19800];
	v0 =	vadd.f32 v3, v0  }
0x8e: {  	v41 =	vld.idx.msk [tilespmem:v6+s2+$0x0], $0xffff  }
0x8f: {  	v42 =	vld [tilespmem:s23+$0x19880];
	v0 =	vadd.f32 v37, v0  }
0x90: {  	v43 =	vld.idx.msk [tilespmem:v7+s2+$0x0], $0xffff  }
0x91: {  	v44 =	vld [tilespmem:s23+$0x19900];
	v0 =	vadd.f32 v39, v0  }
0x92: {  	v45 =	vld.idx.msk [tilespmem:v8+s2+$0x0], $0xffff  }
0x93: {  	v46 =	vld [tilespmem:s23+$0x19980];
	v0 =	vadd.f32 v41, v0  }
0x94: {  	v47 =	vld.idx.msk [tilespmem:v38+s2+$0x0], $0xffff  }
0x95: {  	v48 =	vld [tilespmem:s23+$0x19A00];
	v0 =	vadd.f32 v43, v0  }
0x96: {  	v49 =	vld.idx.msk [tilespmem:v40+s2+$0x0], $0xffff  }
0x97: {  	v50 =	vld [tilespmem:s23+$0x19A80];
	v0 =	vadd.f32 v45, v0  }
0x98: {  	v51 =	vld.idx.msk [tilespmem:v42+s2+$0x0], $0xffff  }
0x99: {  	v52 =	vld [tilespmem:s23+$0x1A700];
	v0 =	vadd.f32 v47, v0  }
0x9a: {  	v53 =	vld.idx.msk [tilespmem:v44+s2+$0x0], $0xffff  }
0x9b: {  	v54 =	vld [tilespmem:s23+$0x1A780];
	v0 =	vadd.f32 v49, v0  }
0x9c: {  	v55 =	vld.idx.msk [tilespmem:v46+s2+$0x0], $0xffff  }
0x9d: {  	v56 =	vld [tilespmem:s23+$0x1A800];
	v0 =	vadd.f32 v51, v0  }
0x9e: {  	v57 =	vld.idx.msk [tilespmem:v48+s2+$0x0], $0xffff  }
0x9f: {  	v58 =	vld [tilespmem:s23+$0x1A880];
	v0 =	vadd.f32 v53, v0  }
0xa0: {  	v59 =	vld.idx.msk [tilespmem:v50+s2+$0x0], $0xffff  }
0xa1: {  	v0 =	vadd.f32 v55, v0  }
0xa2: {  	v60 =	vld.idx.msk [tilespmem:v52+s2+$0x0], $0xffff  }
0xa3: {  	v0 =	vadd.f32 v57, v0  }
0xa4: {  	v61 =	vld.idx.msk [tilespmem:v54+s2+$0x0], $0xffff  }
0xa5: {  	v0 =	vadd.f32 v59, v0  }
0xa6: {  	v62 =	vld.idx.msk [tilespmem:v56+s2+$0x0], $0xffff  }
0xa7: {  	v0 =	vadd.f32 v60, v0  }
0xa8: {  	v63 =	vld.idx.msk [tilespmem:v58+s2+$0x0], $0xffff  }
0xa9: {  	v0 =	vadd.f32 v61, v0;
	_ =	sdelay $0x1  }
0xaa: {  	v0 =	vadd.f32 v62, v0;
	_ =	sdelay $0x1  }
0xab: {  	v0 =	vadd.f32 v63, v0;
	_ =	sdelay $0x1  }
0xac: {  	v0 =	vmul.f32 $5.000000070e-02, v0  }
0xad: {  	s29 =	sadd.s32 $0x10, s22  }
0xae: {  	[tilespmem:s29+$0x0] =	vst v0  }
0xaf: {  	[tilespmem:s14], [sflag:$0x2] =	stream.strided.gather [hbm4b:s6+s12], $0x3000, s13, s12, $0x38;
	[tilespmem:$0x1EF00] =	vst v63  }
0xb0: {  	s25 =	simm.s32 $0x10;
	s24 =	simm.s32 $0x0;
	_ =	swait.ge [sflag:s18], $0x3000  }
0xb1: {  	s30 =	sand.u32 $0x70, s24;
	s31 =	sand.u32 $0xC00, s24;
	[sflag:s18] =	ssyncset.done $0x0  }
0xb2: {  	s22 =	simm.s32 $0x0;
	s23 =	sor.u32 s30, s31;
	[sflag:s18] =	ssyncadd.s32 $0xFFFFD000  }
.LBB2_4:
0xb3: {  	p0 =	sne.s32 s25, $0x1F0;
	v0 =	vld [tilespmem:s23+$0x1B700]  }
0xb4: {  	v1 =	vld [tilespmem:s23+$0x1B780];
	_ =	sdelay $0x1  }
0xb5: {  	v2 =	vld [tilespmem:s23+$0x1B800];
	_ =	sdelay $0x1  }
0xb6: {  	v3 =	vld [tilespmem:s23+$0x1B880]  }
0xb7: {  	v4 =	vld [tilespmem:s23+$0x1B980]  }
0xb8: {  	v5 =	vld [tilespmem:s23+$0x1B900]  }
0xb9: {  	v0 =	vld.idx.msk [tilespmem:v0+s2+$0x0], $0xffff  }
0xba: {  	v1 =	vld.idx.msk [tilespmem:v1+s2+$0x0], $0xffff  }
0xbb: {  	v6 =	vld [tilespmem:s23+$0x1BA00]  }
0xbc: {  	v2 =	vld.idx.msk [tilespmem:v2+s2+$0x0], $0xffff  }
0xbd: {  	v7 =	vld [tilespmem:s23+$0x1BA80]  }
0xbe: {  	v3 =	vld.idx.msk [tilespmem:v3+s2+$0x0], $0xffff  }
0xbf: {  	v8 =	vld [tilespmem:s23+$0x1C700]  }
0xc0: {  	v0 =	vadd.f32 v1, v0;
	v1 =	vld.idx.msk [tilespmem:v5+s2+$0x0], $0xffff  }
0xc1: {  	v5 =	vld [tilespmem:s23+$0x1C780]  }
0xc2: {  	v0 =	vadd.f32 v2, v0;
	v2 =	vld.idx.msk [tilespmem:v4+s2+$0x0], $0xffff  }
0xc3: {  	v4 =	vld [tilespmem:s23+$0x1C800]  }
0xc4: {  	v0 =	vadd.f32 v3, v0;
	v3 =	vld.idx.msk [tilespmem:v6+s2+$0x0], $0xffff  }
0xc5: {  	v6 =	vld [tilespmem:s23+$0x1C880]  }
0xc6: {  	v0 =	vadd.f32 v1, v0;
	v1 =	vld.idx.msk [tilespmem:v7+s2+$0x0], $0xffff  }
0xc7: {  	v7 =	vld [tilespmem:s23+$0x1C900]  }
0xc8: {  	v0 =	vadd.f32 v2, v0;
	v2 =	vld.idx.msk [tilespmem:v8+s2+$0x0], $0xffff  }
0xc9: {  	v8 =	vld [tilespmem:s23+$0x1C980]  }
0xca: {  	v0 =	vadd.f32 v3, v0;
	v3 =	vld.idx.msk [tilespmem:v5+s2+$0x0], $0xffff  }
0xcb: {  	v5 =	vld [tilespmem:s23+$0x1CA00]  }
0xcc: {  	v0 =	vadd.f32 v1, v0;
	v1 =	vld.idx.msk [tilespmem:v4+s2+$0x0], $0xffff  }
0xcd: {  	v4 =	vld [tilespmem:s23+$0x1CA80]  }
0xce: {  	v0 =	vadd.f32 v2, v0;
	v2 =	vld.idx.msk [tilespmem:v6+s2+$0x0], $0xffff  }
0xcf: {  	v6 =	vld [tilespmem:s23+$0x1D700]  }
0xd0: {  	v0 =	vadd.f32 v3, v0;
	v3 =	vld.idx.msk [tilespmem:v7+s2+$0x0], $0xffff  }
0xd1: {  	v7 =	vld [tilespmem:s23+$0x1D780]  }
0xd2: {  	v0 =	vadd.f32 v1, v0;
	v1 =	vld.idx.msk [tilespmem:v8+s2+$0x0], $0xffff  }
0xd3: {  	v8 =	vld [tilespmem:s23+$0x1D800]  }
0xd4: {  	v0 =	vadd.f32 v2, v0;
	v2 =	vld.idx.msk [tilespmem:v5+s2+$0x0], $0xffff  }
0xd5: {  	v5 =	vld [tilespmem:s23+$0x1D880]  }
0xd6: {  	v0 =	vadd.f32 v3, v0;
	v3 =	vld.idx.msk [tilespmem:v4+s2+$0x0], $0xffff;
	_ =	sdelay $0x1  }
0xd7: {  	v0 =	vadd.f32 v1, v0;
	v1 =	vld.idx.msk [tilespmem:v6+s2+$0x0], $0xffff;
	_ =	sdelay $0x1  }
0xd8: {  	v0 =	vadd.f32 v2, v0;
	v2 =	vld.idx.msk [tilespmem:v7+s2+$0x0], $0xffff;
	_ =	sdelay $0x1  }
0xd9: {  	v0 =	vadd.f32 v3, v0;
	v3 =	vld.idx.msk [tilespmem:v8+s2+$0x0], $0xffff;
	_ =	sdelay $0x1  }
0xda: {  	v0 =	vadd.f32 v1, v0;
	v1 =	vld.idx.msk [tilespmem:v5+s2+$0x0], $0xffff;
	_ =	sdelay $0x1  }
0xdb: {  	v0 =	vadd.f32 v2, v0;
	_ =	sdelay $0x1  }
0xdc: {  	v0 =	vadd.f32 v3, v0;
	_ =	sdelay $0x1  }
.Ltmp1:
0xdd: {  	v0 =	vadd.f32 v1, v0;
	(pc) =	sbr.rel @p0 .LBB2_4-.Ltmp1, $4  }
0xde: {  	_ = 	snop  }
0xdf: {  	s24 =	sadd.s32 $0x80, s24;
	v0 =	vmul.f32 $5.000000070e-02, v0  }
0xe0: {  	s22 =	sand.u32 $0x1F0, s22;
	s26 =	sand.u32 $0xC00, s24;
	s23 =	sand.u32 $0x70, s25  }
0xe1: {  	s23 =	sor.u32 s23, s26;
	[tilespmem:s22+$0x1E900] =	vst v0;
	s22 =	smov.u32 s25;
	s25 =	sadd.s32 $0x10, s25  }
0xe2: {  	v0 =	vld [tilespmem:s23+$0x1B700]  }
0xe3: {  	v1 =	vld [tilespmem:s23+$0x1B780];
	_ =	sdelay $0x1  }
0xe4: {  	v2 =	vld [tilespmem:s23+$0x1B800];
	_ =	sdelay $0x1  }
0xe5: {  	v3 =	vld [tilespmem:s23+$0x1B880]  }
0xe6: {  	v4 =	vld [tilespmem:s23+$0x1B980]  }
0xe7: {  	v5 =	vld [tilespmem:s23+$0x1B900]  }
0xe8: {  	v0 =	vld.idx.msk [tilespmem:v0+s2+$0x0], $0xffff  }
0xe9: {  	v1 =	vld.idx.msk [tilespmem:v1+s2+$0x0], $0xffff  }
0xea: {  	v6 =	vld [tilespmem:s23+$0x1BA00]  }
0xeb: {  	v2 =	vld.idx.msk [tilespmem:v2+s2+$0x0], $0xffff  }
0xec: {  	v7 =	vld [tilespmem:s23+$0x1BA80]  }
0xed: {  	v3 =	vld.idx.msk [tilespmem:v3+s2+$0x0], $0xffff  }
0xee: {  	v8 =	vld [tilespmem:s23+$0x1C700];
	v0 =	vadd.f32 v1, v0  }
0xef: {  	v1 =	vld.idx.msk [tilespmem:v5+s2+$0x0], $0xffff  }
0xf0: {  	v37 =	vld [tilespmem:s23+$0x1C780];
	v0 =	vadd.f32 v2, v0  }
0xf1: {  	v2 =	vld.idx.msk [tilespmem:v4+s2+$0x0], $0xffff  }
0xf2: {  	v38 =	vld [tilespmem:s23+$0x1C800];
	v0 =	vadd.f32 v3, v0  }
0xf3: {  	v3 =	vld.idx.msk [tilespmem:v6+s2+$0x0], $0xffff  }
0xf4: {  	v39 =	vld [tilespmem:s23+$0x1C880];
	v0 =	vadd.f32 v1, v0  }
0xf5: {  	v1 =	vld.idx.msk [tilespmem:v7+s2+$0x0], $0xffff  }
0xf6: {  	v40 =	vld [tilespmem:s23+$0x1C900];
	v0 =	vadd.f32 v2, v0  }
0xf7: {  	v2 =	vld.idx.msk [tilespmem:v8+s2+$0x0], $0xffff  }
0xf8: {  	v41 =	vld [tilespmem:s23+$0x1C980];
	v0 =	vadd.f32 v3, v0  }
0xf9: {  	v3 =	vld.idx.msk [tilespmem:v37+s2+$0x0], $0xffff  }
0xfa: {  	v42 =	vld [tilespmem:s23+$0x1CA00];
	v0 =	vadd.f32 v1, v0  }
0xfb: {  	v1 =	vld.idx.msk [tilespmem:v38+s2+$0x0], $0xffff  }
0xfc: {  	v43 =	vld [tilespmem:s23+$0x1CA80];
	v0 =	vadd.f32 v2, v0  }
0xfd: {  	v2 =	vld.idx.msk [tilespmem:v39+s2+$0x0], $0xffff  }
0xfe: {  	v44 =	vld [tilespmem:s23+$0x1D700];
	v0 =	vadd.f32 v3, v0  }
0xff: {  	v3 =	vld.idx.msk [tilespmem:v40+s2+$0x0], $0xffff  }
0x100: {  	v45 =	vld [tilespmem:s23+$0x1D780];
	v0 =	vadd.f32 v1, v0  }
0x101: {  	v1 =	vld.idx.msk [tilespmem:v41+s2+$0x0], $0xffff  }
0x102: {  	v46 =	vld [tilespmem:s23+$0x1D800];
	v0 =	vadd.f32 v2, v0  }
0x103: {  	v2 =	vld.idx.msk [tilespmem:v42+s2+$0x0], $0xffff  }
0x104: {  	v47 =	vld [tilespmem:s23+$0x1D880];
	v0 =	vadd.f32 v3, v0  }
0x105: {  	v3 =	vld.idx.msk [tilespmem:v43+s2+$0x0], $0xffff  }
0x106: {  	v0 =	vadd.f32 v1, v0  }
0x107: {  	v1 =	vld.idx.msk [tilespmem:v44+s2+$0x0], $0xffff  }
0x108: {  	v0 =	vadd.f32 v2, v0  }
0x109: {  	v2 =	vld.idx.msk [tilespmem:v45+s2+$0x0], $0xffff  }
0x10a: {  	v0 =	vadd.f32 v3, v0  }
0x10b: {  	v3 =	vld.idx.msk [tilespmem:v46+s2+$0x0], $0xffff  }
0x10c: {  	v0 =	vadd.f32 v1, v0  }
0x10d: {  	v1 =	vld.idx.msk [tilespmem:v47+s2+$0x0], $0xffff  }
0x10e: {  	v0 =	vadd.f32 v2, v0;
	_ =	sdelay $0x1  }
0x10f: {  	v0 =	vadd.f32 v3, v0;
	_ =	sdelay $0x1  }
0x110: {  	v0 =	vadd.f32 v1, v0;
	_ =	sdelay $0x1  }
0x111: {  	v0 =	vmul.f32 $5.000000070e-02, v0  }
0x112: {  	s22 =	sand.u32 $0x1F0, s22  }
0x113: {  	[tilespmem:s22+$0x1E900] =	vst v0  }
0x114: {  	[tilespmem:s16], [sflag:$0x3] =	stream.strided.gather [hbm4b:s7+s12], $0x3000, s13, s12, $0x38;
	[tilespmem:$0x1EF00] =	vst v63  }
0x115: {  	s29 =	simm.s32 $0x0;
	_ =	swait.ge [sflag:s17], $0x3000  }
0x116: {  	s30 =	sand.u32 $0x70, s29;
	s24 =	sand.u32 $0xC00, s29;
	[sflag:s17] =	ssyncset.done $0x0  }
0x117: {  	s22 =	sor.u32 s30, s24;
	[sflag:s17] =	ssyncadd.s32 $0xFFFFD000  }
0x118: {  	s24 =	sadd.s32 $0x18700, s22;
	v0 =	vld [tilespmem:s22+$0x18700]  }
0x119: {  	v1 =	vld [tilespmem:s24+$0x80];
	_ =	sdelay $0x1  }
0x11a: {  	v2 =	vld [tilespmem:s24+$0x100];
	_ =	sdelay $0x1  }
0x11b: {  	v3 =	vld [tilespmem:s24+$0x180]  }
0x11c: {  	v48 =	vld [tilespmem:s24+$0x280]  }
0x11d: {  	v49 =	vld [tilespmem:s24+$0x200]  }
0x11e: {  	v0 =	vld.idx.msk [tilespmem:v0+s2+$0x0], $0xffff  }
0x11f: {  	v1 =	vld.idx.msk [tilespmem:v1+s2+$0x0], $0xffff  }
0x120: {  	s31 =	sor.u32 s29, s29;
	v50 =	vld [tilespmem:s24+$0x300]  }
0x121: {  	s24 =	sor.u32 $0x380, s31;
	v2 =	vld.idx.msk [tilespmem:v2+s2+$0x0], $0xffff  }
0x122: {  	v51 =	vld [tilespmem:s24+$0x18700]  }
0x123: {  	v3 =	vld.idx.msk [tilespmem:v3+s2+$0x0], $0xffff  }
0x124: {  	v52 =	vld [tilespmem:s22+$0x19700];
	v0 =	vadd.f32 v1, v0  }
0x125: {  	v1 =	vld.idx.msk [tilespmem:v49+s2+$0x0], $0xffff  }
0x126: {  	v53 =	vld [tilespmem:s22+$0x19780];
	v0 =	vadd.f32 v2, v0  }
0x127: {  	v2 =	vld.idx.msk [tilespmem:v48+s2+$0x0], $0xffff  }
0x128: {  	v54 =	vld [tilespmem:s22+$0x19800];
	v0 =	vadd.f32 v3, v0  }
0x129: {  	v3 =	vld.idx.msk [tilespmem:v50+s2+$0x0], $0xffff  }
0x12a: {  	v55 =	vld [tilespmem:s22+$0x19880];
	v0 =	vadd.f32 v1, v0  }
0x12b: {  	v1 =	vld.idx.msk [tilespmem:v51+s2+$0x0], $0xffff  }
0x12c: {  	v56 =	vld [tilespmem:s22+$0x19900];
	v0 =	vadd.f32 v2, v0  }
0x12d: {  	v2 =	vld.idx.msk [tilespmem:v52+s2+$0x0], $0xffff  }
0x12e: {  	v57 =	vld [tilespmem:s22+$0x19980];
	v0 =	vadd.f32 v3, v0  }
0x12f: {  	v3 =	vld.idx.msk [tilespmem:v53+s2+$0x0], $0xffff  }
0x130: {  	v58 =	vld [tilespmem:s22+$0x19A00];
	v0 =	vadd.f32 v1, v0  }
0x131: {  	v1 =	vld.idx.msk [tilespmem:v54+s2+$0x0], $0xffff  }
0x132: {  	v59 =	vld [tilespmem:s22+$0x19A80];
	v0 =	vadd.f32 v2, v0  }
0x133: {  	v2 =	vld.idx.msk [tilespmem:v55+s2+$0x0], $0xffff  }
0x134: {  	v60 =	vld [tilespmem:s22+$0x1A700];
	v0 =	vadd.f32 v3, v0  }
0x135: {  	v3 =	vld.idx.msk [tilespmem:v56+s2+$0x0], $0xffff  }
0x136: {  	v61 =	vld [tilespmem:s22+$0x1A780];
	v0 =	vadd.f32 v1, v0  }
0x137: {  	v1 =	vld.idx.msk [tilespmem:v57+s2+$0x0], $0xffff  }
0x138: {  	v62 =	vld [tilespmem:s22+$0x1A800];
	v0 =	vadd.f32 v2, v0  }
0x139: {  	v2 =	vld.idx.msk [tilespmem:v58+s2+$0x0], $0xffff  }
0x13a: {  	v63 =	vld [tilespmem:s22+$0x1A880];
	v0 =	vadd.f32 v3, v0  }
0x13b: {  	v3 =	vld.idx.msk [tilespmem:v59+s2+$0x0], $0xffff  }
0x13c: {  	v0 =	vadd.f32 v1, v0  }
0x13d: {  	v1 =	vld.idx.msk [tilespmem:v60+s2+$0x0], $0xffff  }
0x13e: {  	v0 =	vadd.f32 v2, v0  }
0x13f: {  	v2 =	vld.idx.msk [tilespmem:v61+s2+$0x0], $0xffff  }
0x140: {  	v0 =	vadd.f32 v3, v0  }
0x141: {  	v3 =	vld.idx.msk [tilespmem:v62+s2+$0x0], $0xffff  }
0x142: {  	v0 =	vadd.f32 v1, v0  }
0x143: {  	v1 =	vld.idx.msk [tilespmem:v63+s2+$0x0], $0xffff  }
0x144: {  	v0 =	vadd.f32 v2, v0;
	_ =	sdelay $0x1  }
0x145: {  	v0 =	vadd.f32 v3, v0;
	_ =	sdelay $0x1  }
0x146: {  	v0 =	vadd.f32 v1, v0;
	_ =	sdelay $0x1  }
0x147: {  	s23 =	simm.s32 $0x80;
	s26 =	sand.u32 $0x1F0, s29;
	s22 =	simm.s32 $0x10;
	v0 =	vmul.f32 $5.000000070e-02, v0  }
0x148: {  	s28 =	sand.u32 $0xC00, s23;
	s25 =	sand.u32 $0x70, s22;
	s24 =	simm.s32 $0x20  }
.LBB2_6:
0x149: {  	p0 =	sne.s32 s24, $0x1F0;
	s25 =	sor.u32 s25, s28;
	[tilespmem:s26+$0x1EB00] =	vst v0  }
0x14a: {  	s26 =	sadd.s32 $0x18700, s25;
	v0 =	vld [tilespmem:s25+$0x18700]  }
0x14b: {  	v1 =	vld [tilespmem:s26+$0x80];
	_ =	sdelay $0x1  }
0x14c: {  	v2 =	vld [tilespmem:s26+$0x100];
	_ =	sdelay $0x1  }
0x14d: {  	v3 =	vld [tilespmem:s26+$0x180]  }
0x14e: {  	v4 =	vld [tilespmem:s26+$0x280]  }
0x14f: {  	v5 =	vld [tilespmem:s26+$0x200]  }
0x150: {  	v0 =	vld.idx.msk [tilespmem:v0+s2+$0x0], $0xffff  }
0x151: {  	v1 =	vld.idx.msk [tilespmem:v1+s2+$0x0], $0xffff  }
0x152: {  	v6 =	vld [tilespmem:s26+$0x300];
	s26 =	sor.u32 s23, s22  }
0x153: {  	v2 =	vld.idx.msk [tilespmem:v2+s2+$0x0], $0xffff;
	s26 =	sor.u32 $0x380, s26  }
0x154: {  	v7 =	vld [tilespmem:s26+$0x18700]  }
0x155: {  	v3 =	vld.idx.msk [tilespmem:v3+s2+$0x0], $0xffff  }
0x156: {  	v8 =	vld [tilespmem:s25+$0x19700]  }
0x157: {  	v0 =	vadd.f32 v1, v0;
	v1 =	vld.idx.msk [tilespmem:v5+s2+$0x0], $0xffff  }
0x158: {  	v5 =	vld [tilespmem:s25+$0x19780]  }
0x159: {  	v0 =	vadd.f32 v2, v0;
	v2 =	vld.idx.msk [tilespmem:v4+s2+$0x0], $0xffff  }
0x15a: {  	v4 =	vld [tilespmem:s25+$0x19800]  }
0x15b: {  	v0 =	vadd.f32 v3, v0;
	v3 =	vld.idx.msk [tilespmem:v6+s2+$0x0], $0xffff  }
0x15c: {  	v6 =	vld [tilespmem:s25+$0x19880]  }
0x15d: {  	v0 =	vadd.f32 v1, v0;
	v1 =	vld.idx.msk [tilespmem:v7+s2+$0x0], $0xffff  }
0x15e: {  	v7 =	vld [tilespmem:s25+$0x19900]  }
0x15f: {  	v0 =	vadd.f32 v2, v0;
	v2 =	vld.idx.msk [tilespmem:v8+s2+$0x0], $0xffff  }
0x160: {  	v8 =	vld [tilespmem:s25+$0x19980]  }
0x161: {  	v0 =	vadd.f32 v3, v0;
	v3 =	vld.idx.msk [tilespmem:v5+s2+$0x0], $0xffff  }
0x162: {  	v5 =	vld [tilespmem:s25+$0x19A00]  }
0x163: {  	v0 =	vadd.f32 v1, v0;
	v1 =	vld.idx.msk [tilespmem:v4+s2+$0x0], $0xffff  }
0x164: {  	v4 =	vld [tilespmem:s25+$0x19A80]  }
0x165: {  	v0 =	vadd.f32 v2, v0;
	v2 =	vld.idx.msk [tilespmem:v6+s2+$0x0], $0xffff  }
0x166: {  	v6 =	vld [tilespmem:s25+$0x1A700]  }
0x167: {  	v0 =	vadd.f32 v3, v0;
	v3 =	vld.idx.msk [tilespmem:v7+s2+$0x0], $0xffff  }
0x168: {  	v7 =	vld [tilespmem:s25+$0x1A780]  }
0x169: {  	v0 =	vadd.f32 v1, v0;
	v1 =	vld.idx.msk [tilespmem:v8+s2+$0x0], $0xffff  }
0x16a: {  	v8 =	vld [tilespmem:s25+$0x1A800]  }
0x16b: {  	v0 =	vadd.f32 v2, v0;
	v2 =	vld.idx.msk [tilespmem:v5+s2+$0x0], $0xffff  }
0x16c: {  	v5 =	vld [tilespmem:s25+$0x1A880]  }
0x16d: {  	v0 =	vadd.f32 v3, v0;
	v3 =	vld.idx.msk [tilespmem:v4+s2+$0x0], $0xffff;
	_ =	sdelay $0x1  }
0x16e: {  	v0 =	vadd.f32 v1, v0;
	v1 =	vld.idx.msk [tilespmem:v6+s2+$0x0], $0xffff;
	_ =	sdelay $0x1  }
0x16f: {  	v0 =	vadd.f32 v2, v0;
	v2 =	vld.idx.msk [tilespmem:v7+s2+$0x0], $0xffff;
	_ =	sdelay $0x1  }
0x170: {  	v0 =	vadd.f32 v3, v0;
	v3 =	vld.idx.msk [tilespmem:v8+s2+$0x0], $0xffff;
	_ =	sdelay $0x1  }
0x171: {  	v0 =	vadd.f32 v1, v0;
	v1 =	vld.idx.msk [tilespmem:v5+s2+$0x0], $0xffff;
	_ =	sdelay $0x1  }
0x172: {  	v0 =	vadd.f32 v2, v0;
	_ =	sdelay $0x1  }
0x173: {  	v0 =	vadd.f32 v3, v0  }
.Ltmp2:
0x174: {  	(pc) =	sbr.rel @p0 .LBB2_6-.Ltmp2, $3  }
0x175: {  	v0 =	vadd.f32 v1, v0;
	_ =	sdelay $0x1  }
0x176: {  	s23 =	sadd.s32 $0x80, s23;
	s26 =	sand.u32 $0x1F0, s22;
	s22 =	smov.u32 s24;
	v0 =	vmul.f32 $5.000000070e-02, v0  }
0x177: {  	s28 =	sand.u32 $0xC00, s23;
	s24 =	sadd.s32 $0x10, s24;
	s25 =	sand.u32 $0x70, s22  }
0x178: {  	s24 =	sor.u32 s25, s28;
	[tilespmem:s26+$0x1EB00] =	vst v0  }
0x179: {  	s25 =	sadd.s32 $0x18700, s24;
	v0 =	vld [tilespmem:s24+$0x18700]  }
0x17a: {  	v1 =	vld [tilespmem:s25+$0x80];
	_ =	sdelay $0x1  }
0x17b: {  	v2 =	vld [tilespmem:s25+$0x100];
	_ =	sdelay $0x1  }
0x17c: {  	v3 =	vld [tilespmem:s25+$0x180]  }
0x17d: {  	v4 =	vld [tilespmem:s25+$0x280]  }
0x17e: {  	v5 =	vld [tilespmem:s25+$0x200]  }
0x17f: {  	v0 =	vld.idx.msk [tilespmem:v0+s2+$0x0], $0xffff  }
0x180: {  	v1 =	vld.idx.msk [tilespmem:v1+s2+$0x0], $0xffff  }
0x181: {  	s23 =	sor.u32 s23, s22;
	v6 =	vld [tilespmem:s25+$0x300]  }
0x182: {  	s23 =	sor.u32 $0x380, s23;
	v2 =	vld.idx.msk [tilespmem:v2+s2+$0x0], $0xffff  }
0x183: {  	v7 =	vld [tilespmem:s23+$0x18700]  }
0x184: {  	v3 =	vld.idx.msk [tilespmem:v3+s2+$0x0], $0xffff  }
0x185: {  	v8 =	vld [tilespmem:s24+$0x19700];
	v0 =	vadd.f32 v1, v0  }
0x186: {  	v37 =	vld.idx.msk [tilespmem:v5+s2+$0x0], $0xffff  }
0x187: {  	v38 =	vld [tilespmem:s24+$0x19780];
	v0 =	vadd.f32 v2, v0  }
0x188: {  	v39 =	vld.idx.msk [tilespmem:v4+s2+$0x0], $0xffff  }
0x189: {  	v40 =	vld [tilespmem:s24+$0x19800];
	v0 =	vadd.f32 v3, v0  }
0x18a: {  	v41 =	vld.idx.msk [tilespmem:v6+s2+$0x0], $0xffff  }
0x18b: {  	v42 =	vld [tilespmem:s24+$0x19880];
	v0 =	vadd.f32 v37, v0  }
0x18c: {  	v43 =	vld.idx.msk [tilespmem:v7+s2+$0x0], $0xffff  }
0x18d: {  	v44 =	vld [tilespmem:s24+$0x19900];
	v0 =	vadd.f32 v39, v0  }
0x18e: {  	v45 =	vld.idx.msk [tilespmem:v8+s2+$0x0], $0xffff  }
0x18f: {  	v46 =	vld [tilespmem:s24+$0x19980];
	v0 =	vadd.f32 v41, v0  }
0x190: {  	v47 =	vld.idx.msk [tilespmem:v38+s2+$0x0], $0xffff  }
0x191: {  	v48 =	vld [tilespmem:s24+$0x19A00];
	v0 =	vadd.f32 v43, v0  }
0x192: {  	v49 =	vld.idx.msk [tilespmem:v40+s2+$0x0], $0xffff  }
0x193: {  	v50 =	vld [tilespmem:s24+$0x19A80];
	v0 =	vadd.f32 v45, v0  }
0x194: {  	v51 =	vld.idx.msk [tilespmem:v42+s2+$0x0], $0xffff  }
0x195: {  	v52 =	vld [tilespmem:s24+$0x1A700];
	v0 =	vadd.f32 v47, v0  }
0x196: {  	v53 =	vld.idx.msk [tilespmem:v44+s2+$0x0], $0xffff  }
0x197: {  	v54 =	vld [tilespmem:s24+$0x1A780];
	v0 =	vadd.f32 v49, v0  }
0x198: {  	v55 =	vld.idx.msk [tilespmem:v46+s2+$0x0], $0xffff  }
0x199: {  	v56 =	vld [tilespmem:s24+$0x1A800];
	v0 =	vadd.f32 v51, v0  }
0x19a: {  	v57 =	vld.idx.msk [tilespmem:v48+s2+$0x0], $0xffff  }
0x19b: {  	v58 =	vld [tilespmem:s24+$0x1A880];
	v0 =	vadd.f32 v53, v0  }
0x19c: {  	v59 =	vld.idx.msk [tilespmem:v50+s2+$0x0], $0xffff  }
0x19d: {  	v0 =	vadd.f32 v55, v0  }
0x19e: {  	v60 =	vld.idx.msk [tilespmem:v52+s2+$0x0], $0xffff  }
0x19f: {  	v0 =	vadd.f32 v57, v0  }
0x1a0: {  	v61 =	vld.idx.msk [tilespmem:v54+s2+$0x0], $0xffff  }
0x1a1: {  	v0 =	vadd.f32 v59, v0  }
0x1a2: {  	v62 =	vld.idx.msk [tilespmem:v56+s2+$0x0], $0xffff  }
0x1a3: {  	v0 =	vadd.f32 v60, v0  }
0x1a4: {  	v63 =	vld.idx.msk [tilespmem:v58+s2+$0x0], $0xffff  }
0x1a5: {  	v0 =	vadd.f32 v61, v0;
	_ =	sdelay $0x1  }
0x1a6: {  	v0 =	vadd.f32 v62, v0;
	_ =	sdelay $0x1  }
0x1a7: {  	v0 =	vadd.f32 v63, v0;
	_ =	sdelay $0x1  }
0x1a8: {  	v0 =	vmul.f32 $5.000000070e-02, v0  }
0x1a9: {  	s29 =	sand.u32 $0x1F0, s22  }
0x1aa: {  	[tilespmem:s29+$0x1EB00] =	vst v0  }
0x1ab: {  	s22 =	simm.s32 $0x0;
	s24 =	simm.s32 $0x0;
	_ =	swait.ge [sflag:s18], $0x3000  }
0x1ac: {  	s30 =	sand.u32 $0x70, s24;
	s31 =	sand.u32 $0xC00, s24;
	[sflag:s18] =	ssyncset.done $0x0  }
0x1ad: {  	s25 =	simm.s32 $0x10;
	s23 =	sor.u32 s30, s31;
	[sflag:s18] =	ssyncadd.s32 $0xFFFFD000  }
.LBB2_8:
0x1ae: {  	p0 =	sne.s32 s25, $0x1F0;
	v0 =	vld [tilespmem:s23+$0x1B700]  }
0x1af: {  	v1 =	vld [tilespmem:s23+$0x1B780];
	_ =	sdelay $0x1  }
0x1b0: {  	v2 =	vld [tilespmem:s23+$0x1B800];
	_ =	sdelay $0x1  }
0x1b1: {  	v3 =	vld [tilespmem:s23+$0x1B880]  }
0x1b2: {  	v4 =	vld [tilespmem:s23+$0x1B980]  }
0x1b3: {  	v5 =	vld [tilespmem:s23+$0x1B900]  }
0x1b4: {  	v0 =	vld.idx.msk [tilespmem:v0+s2+$0x0], $0xffff  }
0x1b5: {  	v1 =	vld.idx.msk [tilespmem:v1+s2+$0x0], $0xffff  }
0x1b6: {  	v6 =	vld [tilespmem:s23+$0x1BA00]  }
0x1b7: {  	v2 =	vld.idx.msk [tilespmem:v2+s2+$0x0], $0xffff  }
0x1b8: {  	v7 =	vld [tilespmem:s23+$0x1BA80]  }
0x1b9: {  	v3 =	vld.idx.msk [tilespmem:v3+s2+$0x0], $0xffff  }
0x1ba: {  	v8 =	vld [tilespmem:s23+$0x1C700]  }
0x1bb: {  	v0 =	vadd.f32 v1, v0;
	v1 =	vld.idx.msk [tilespmem:v5+s2+$0x0], $0xffff  }
0x1bc: {  	v5 =	vld [tilespmem:s23+$0x1C780]  }
0x1bd: {  	v0 =	vadd.f32 v2, v0;
	v2 =	vld.idx.msk [tilespmem:v4+s2+$0x0], $0xffff  }
0x1be: {  	v4 =	vld [tilespmem:s23+$0x1C800]  }
0x1bf: {  	v0 =	vadd.f32 v3, v0;
	v3 =	vld.idx.msk [tilespmem:v6+s2+$0x0], $0xffff  }
0x1c0: {  	v6 =	vld [tilespmem:s23+$0x1C880]  }
0x1c1: {  	v0 =	vadd.f32 v1, v0;
	v1 =	vld.idx.msk [tilespmem:v7+s2+$0x0], $0xffff  }
0x1c2: {  	v7 =	vld [tilespmem:s23+$0x1C900]  }
0x1c3: {  	v0 =	vadd.f32 v2, v0;
	v2 =	vld.idx.msk [tilespmem:v8+s2+$0x0], $0xffff  }
0x1c4: {  	v8 =	vld [tilespmem:s23+$0x1C980]  }
0x1c5: {  	v0 =	vadd.f32 v3, v0;
	v3 =	vld.idx.msk [tilespmem:v5+s2+$0x0], $0xffff  }
0x1c6: {  	v5 =	vld [tilespmem:s23+$0x1CA00]  }
0x1c7: {  	v0 =	vadd.f32 v1, v0;
	v1 =	vld.idx.msk [tilespmem:v4+s2+$0x0], $0xffff  }
0x1c8: {  	v4 =	vld [tilespmem:s23+$0x1CA80]  }
0x1c9: {  	v0 =	vadd.f32 v2, v0;
	v2 =	vld.idx.msk [tilespmem:v6+s2+$0x0], $0xffff  }
0x1ca: {  	v6 =	vld [tilespmem:s23+$0x1D700]  }
0x1cb: {  	v0 =	vadd.f32 v3, v0;
	v3 =	vld.idx.msk [tilespmem:v7+s2+$0x0], $0xffff  }
0x1cc: {  	v7 =	vld [tilespmem:s23+$0x1D780]  }
0x1cd: {  	v0 =	vadd.f32 v1, v0;
	v1 =	vld.idx.msk [tilespmem:v8+s2+$0x0], $0xffff  }
0x1ce: {  	v8 =	vld [tilespmem:s23+$0x1D800]  }
0x1cf: {  	v0 =	vadd.f32 v2, v0;
	v2 =	vld.idx.msk [tilespmem:v5+s2+$0x0], $0xffff  }
0x1d0: {  	v5 =	vld [tilespmem:s23+$0x1D880]  }
0x1d1: {  	v0 =	vadd.f32 v3, v0;
	v3 =	vld.idx.msk [tilespmem:v4+s2+$0x0], $0xffff;
	_ =	sdelay $0x1  }
0x1d2: {  	v0 =	vadd.f32 v1, v0;
	v1 =	vld.idx.msk [tilespmem:v6+s2+$0x0], $0xffff;
	_ =	sdelay $0x1  }
0x1d3: {  	v0 =	vadd.f32 v2, v0;
	v2 =	vld.idx.msk [tilespmem:v7+s2+$0x0], $0xffff;
	_ =	sdelay $0x1  }
0x1d4: {  	v0 =	vadd.f32 v3, v0;
	v3 =	vld.idx.msk [tilespmem:v8+s2+$0x0], $0xffff;
	_ =	sdelay $0x1  }
0x1d5: {  	v0 =	vadd.f32 v1, v0;
	v1 =	vld.idx.msk [tilespmem:v5+s2+$0x0], $0xffff;
	_ =	sdelay $0x1  }
0x1d6: {  	v0 =	vadd.f32 v2, v0;
	_ =	sdelay $0x1  }
0x1d7: {  	v0 =	vadd.f32 v3, v0;
	_ =	sdelay $0x1  }
.Ltmp3:
0x1d8: {  	v0 =	vadd.f32 v1, v0;
	(pc) =	sbr.rel @p0 .LBB2_8-.Ltmp3, $4  }
0x1d9: {  	_ = 	snop  }
0x1da: {  	s24 =	sadd.s32 $0x80, s24;
	v0 =	vmul.f32 $5.000000070e-02, v0  }
0x1db: {  	s22 =	sand.u32 $0x1F0, s22;
	s26 =	sand.u32 $0xC00, s24;
	s23 =	sand.u32 $0x70, s25  }
0x1dc: {  	s23 =	sor.u32 s23, s26;
	[tilespmem:s22+$0x1ED00] =	vst v0;
	s22 =	smov.u32 s25;
	s25 =	sadd.s32 $0x10, s25  }
0x1dd: {  	v0 =	vld [tilespmem:s23+$0x1B700]  }
0x1de: {  	v1 =	vld [tilespmem:s23+$0x1B780];
	_ =	sdelay $0x1  }
0x1df: {  	v2 =	vld [tilespmem:s23+$0x1B800];
	_ =	sdelay $0x1  }
0x1e0: {  	v3 =	vld [tilespmem:s23+$0x1B880]  }
0x1e1: {  	v4 =	vld [tilespmem:s23+$0x1B980]  }
0x1e2: {  	v5 =	vld [tilespmem:s23+$0x1B900]  }
0x1e3: {  	v0 =	vld.idx.msk [tilespmem:v0+s2+$0x0], $0xffff  }
0x1e4: {  	v1 =	vld.idx.msk [tilespmem:v1+s2+$0x0], $0xffff  }
0x1e5: {  	v6 =	vld [tilespmem:s23+$0x1BA00]  }
0x1e6: {  	v2 =	vld.idx.msk [tilespmem:v2+s2+$0x0], $0xffff  }
0x1e7: {  	v7 =	vld [tilespmem:s23+$0x1BA80]  }
0x1e8: {  	v3 =	vld.idx.msk [tilespmem:v3+s2+$0x0], $0xffff  }
0x1e9: {  	v8 =	vld [tilespmem:s23+$0x1C700];
	v0 =	vadd.f32 v1, v0  }
0x1ea: {  	v37 =	vld.idx.msk [tilespmem:v5+s2+$0x0], $0xffff  }
0x1eb: {  	v38 =	vld [tilespmem:s23+$0x1C780];
	v0 =	vadd.f32 v2, v0  }
0x1ec: {  	v39 =	vld.idx.msk [tilespmem:v4+s2+$0x0], $0xffff  }
0x1ed: {  	v40 =	vld [tilespmem:s23+$0x1C800];
	v0 =	vadd.f32 v3, v0  }
0x1ee: {  	v41 =	vld.idx.msk [tilespmem:v6+s2+$0x0], $0xffff  }
0x1ef: {  	v42 =	vld [tilespmem:s23+$0x1C880];
	v0 =	vadd.f32 v37, v0  }
0x1f0: {  	v43 =	vld.idx.msk [tilespmem:v7+s2+$0x0], $0xffff  }
0x1f1: {  	v44 =	vld [tilespmem:s23+$0x1C900];
	v0 =	vadd.f32 v39, v0  }
0x1f2: {  	v45 =	vld.idx.msk [tilespmem:v8+s2+$0x0], $0xffff  }
0x1f3: {  	v46 =	vld [tilespmem:s23+$0x1C980];
	v0 =	vadd.f32 v41, v0  }
0x1f4: {  	v47 =	vld.idx.msk [tilespmem:v38+s2+$0x0], $0xffff  }
0x1f5: {  	v48 =	vld [tilespmem:s23+$0x1CA00];
	v0 =	vadd.f32 v43, v0  }
0x1f6: {  	v49 =	vld.idx.msk [tilespmem:v40+s2+$0x0], $0xffff  }
0x1f7: {  	v50 =	vld [tilespmem:s23+$0x1CA80];
	v0 =	vadd.f32 v45, v0  }
0x1f8: {  	v51 =	vld.idx.msk [tilespmem:v42+s2+$0x0], $0xffff  }
0x1f9: {  	v52 =	vld [tilespmem:s23+$0x1D700];
	v0 =	vadd.f32 v47, v0  }
0x1fa: {  	v53 =	vld.idx.msk [tilespmem:v44+s2+$0x0], $0xffff  }
0x1fb: {  	v54 =	vld [tilespmem:s23+$0x1D780];
	v0 =	vadd.f32 v49, v0  }
0x1fc: {  	v55 =	vld.idx.msk [tilespmem:v46+s2+$0x0], $0xffff  }
0x1fd: {  	v56 =	vld [tilespmem:s23+$0x1D800];
	v0 =	vadd.f32 v51, v0  }
0x1fe: {  	v57 =	vld.idx.msk [tilespmem:v48+s2+$0x0], $0xffff  }
0x1ff: {  	v58 =	vld [tilespmem:s23+$0x1D880];
	v0 =	vadd.f32 v53, v0  }
0x200: {  	v59 =	vld.idx.msk [tilespmem:v50+s2+$0x0], $0xffff  }
0x201: {  	v0 =	vadd.f32 v55, v0  }
0x202: {  	v60 =	vld.idx.msk [tilespmem:v52+s2+$0x0], $0xffff  }
0x203: {  	v0 =	vadd.f32 v57, v0  }
0x204: {  	v61 =	vld.idx.msk [tilespmem:v54+s2+$0x0], $0xffff  }
0x205: {  	v0 =	vadd.f32 v59, v0  }
0x206: {  	v62 =	vld.idx.msk [tilespmem:v56+s2+$0x0], $0xffff  }
0x207: {  	v0 =	vadd.f32 v60, v0  }
0x208: {  	v63 =	vld.idx.msk [tilespmem:v58+s2+$0x0], $0xffff  }
0x209: {  	v0 =	vadd.f32 v61, v0;
	_ =	sdelay $0x1  }
0x20a: {  	v0 =	vadd.f32 v62, v0;
	_ =	sdelay $0x1  }
0x20b: {  	v0 =	vadd.f32 v63, v0;
	_ =	sdelay $0x1  }
0x20c: {  	s21 =	sadd.s32 $0x1, s21;
	v0 =	vmul.f32 $5.000000070e-02, v0  }
0x20d: {  	s22 =	sand.u32 $0x1F0, s22;
	p0 =	sne.s32 s21, s9  }
.Ltmp4:
0x20e: {  	[tilespmem:s22+$0x1ED00] =	vst v0;
	(pc) =	sbr.rel @p0 .LBB2_1-.Ltmp4, $4  }
0x20f: {  	[hbm4b:s8+s10] =	stream.strided.scatter [tilespmem:s19], [sflag:$0x4], $0x800, s11, s10, $0x38;
	[tilespmem:$0x1EF00] =	vst v63  }
0x210: {  	_ =	swait.ge [sflag:s20], $0x800  }
0x211: {  	[sflag:s20] =	ssyncset.done $0x0  }
0x212: {  	[sflag:s20] =	ssyncadd.s32 $0xFFFFF800  }
0x213: {  	_ =	sfence.sel $0x180000  }
0x214: {  	[bflag:$0x0] =	sbarrier.arrive $0xFFFF  }
0x215: {  	p0 =	sne.s32 s1, $0x0;
	_ =	strace $0x90000047  }
0x216: {  	s0 =	sadd.s32 @!p0 $0x100000, s0;
	[bflag:$0x2] =	sbarrier.arrive $0xFFFF  }
0x217: {  	[sflag:s0] =	ssyncadd.tile.s32 @!p0 $0x1;
	_ =	shalt  }
.Lfunc_end2:
_tile_overlayer_lowered:
.L_overlay_start_2:
0x218: {  	(tag) =	ssettag $0x2  }
0x219: {  	s0 =	rddreg [dreg:$0x0];
	s2 =	stileid.u32  }
0x21a: {  	s1 =	rddreg [dreg:$0x1];
	p0 =	sne.s32 s2, $0x0  }
0x21b: {  	s3 =	rddreg [dreg:$0x2];
	[bflag:$0x3] =	sbarrier.arrive $0xFFFF;
	s2 =	simm.s32 @!p0 $0x1C04  }
0x21c: {  	[timem:s3], [sflag:s2] =	dma.local @!p0 [hbm:s0], s1  }
0x21d: {  	s0 =	simm.s32 @!p0 $0x4  }
0x21e: {  	_ =	swait.ge @!p0 [sflag:s0], s1  }
0x21f: {  	s1 =	ssub.s32 @!p0 $0x0, s1;
	[sflag:s0] =	ssyncset.done @!p0 $0x0  }
0x220: {  	[sflag:s0] =	ssyncadd.s32 @!p0 s1  }
0x221: {  	[bflag:$0x3] =	sbarrier.arrive $0xFFFF  }
0x222: {  	_ =	shalt  }

</sc_bundles>
